<compile_context>
chip_gen: v7x
topology: tpu7x:2x2x1
jax: 0.10.2.dev20260603
libtpu: 0.0.44.dev20260713+nightly
codegen_flags: <defaults>
</compile_context>

<pallas_src>
import math

import jax
import jax.numpy as jnp
import numpy as np
from jax import lax
from jax.experimental import pallas as pl
from jax.experimental.pallas import tpu as pltpu
from jax.experimental.pallas import tpu_sc as plsc

B = 4
N = 10000
NP = 10240
E = 320000
T = 12
D = 128
NC = 2
NS = 16
NW = NC * NS
EPW = E // NW
P2C = 1
NW2 = P2C * NS
EPW2 = E // NW2
CHUNK = 80
SEG = 2000
NSEG = EPW2 // SEG
CPS = SEG // CHUNK

_pos = np.arange(T, dtype=np.float64)[:, None]
_div = np.exp(np.arange(0, D, 2, dtype=np.float64) * (-(math.log(10000.0) / D)))
_pe = np.zeros((T, D), dtype=np.float32)
_pe[:, 0::2] = np.sin(_pos * _div)
_pe[:, 1::2] = np.cos(_pos * _div)


def _deg_kernel(col_hbm, ew_hbm, out_hbm, col_v, ew_v, deg_v):
    cid = lax.axis_index("c")
    sid = lax.axis_index("s")
    wid = sid * NC + cid
    pltpu.sync_copy(col_hbm.at[wid], col_v)
    pltpu.sync_copy(ew_hbm.at[wid], ew_v)
    zero16 = jnp.zeros((16,), jnp.float32)

    def zloop(i, carry):
        deg_v[pl.ds(i * 16, 16)] = zero16
        return carry

    lax.fori_loop(0, NP // 16, zloop, 0)

    def eloop(i, carry):
        s = pl.ds(i * 16, 16)
        plsc.addupdate_scatter(deg_v, [col_v[s]], ew_v[s])
        return carry

    lax.fori_loop(0, EPW // 16, eloop, 0)
    pltpu.sync_copy(deg_v, out_hbm.at[wid])


def _run_deg(col2, ew2):
    f = pl.kernel(
        _deg_kernel,
        out_type=jax.ShapeDtypeStruct((NW, NP), jnp.float32),
        mesh=plsc.VectorSubcoreMesh(core_axis_name="c", subcore_axis_name="s"),
        compiler_params=pltpu.CompilerParams(needs_layout_passes=False),
        scratch_types=[
            pltpu.VMEM((EPW,), jnp.int32),
            pltpu.VMEM((EPW,), jnp.float32),
            pltpu.VMEM((NP,), jnp.float32),
        ],
    )
    return f(col2, ew2)


def _tc1_kernel(emb_ref, wt_ref, degT_ref, xlin_ref, dinv_ref):
    xlin_ref[...] = jnp.dot(emb_ref[...], wt_ref[...],
                            preferred_element_type=jnp.float32)
    deg = jnp.sum(degT_ref[...], axis=1, keepdims=True) + 1.0
    dinv_ref[...] = lax.rsqrt(deg)


def _run_tc1(emb_pad, gcn_Wt, degT):
    nb = 1280
    grid = (NP // nb,)
    return pl.pallas_call(
        _tc1_kernel,
        grid=grid,
        in_specs=[
            pl.BlockSpec((nb, D), lambda i: (i, 0)),
            pl.BlockSpec((D, D), lambda i: (0, 0)),
            pl.BlockSpec((nb, NW), lambda i: (i, 0)),
        ],
        out_specs=[
            pl.BlockSpec((nb, D), lambda i: (i, 0)),
            pl.BlockSpec((nb, 1), lambda i: (i, 0)),
        ],
        out_shape=[
            jax.ShapeDtypeStruct((NP, D), jnp.float32),
            jax.ShapeDtypeStruct((NP, 1), jnp.float32),
        ],
    )(emb_pad, gcn_Wt, degT)


def _edge_kernel(xlin_hbm, dinv_hbm, rowf_hbm, colf_hbm, col3_hbm, ew_hbm,
                 out_hbm, dinv_v, rowf_v, colf_v, ew_v, col2d_v, norm_v,
                 rows_v, zbuf_v, acc, gsem):
    sid = lax.axis_index("s")
    wid = sid
    pltpu.sync_copy(dinv_hbm, dinv_v)

    zero16 = jnp.zeros((16,), jnp.float32)

    def zloop(i, carry):
        for j in range(8):
            zbuf_v[i, pl.ds(j * 16, 16)] = zero16
        return carry

    lax.fori_loop(0, 32, zloop, 0)
    rows_per_sub = NP // NS
    for k in range(rows_per_sub // 32):
        pltpu.sync_copy(zbuf_v, acc.at[pl.ds(sid * rows_per_sub + k * 32, 32)])
    plsc.subcore_barrier()

    def sloop(g, carry):
        pltpu.sync_copy(rowf_hbm.at[wid, g], rowf_v)
        pltpu.sync_copy(colf_hbm.at[wid, g], colf_v)
        pltpu.sync_copy(col3_hbm.at[wid, g], col2d_v)
        pltpu.sync_copy(ew_hbm.at[wid, g], ew_v)

        def nloop(i, carry1):
            s = pl.ds(i * 16, 16)
            dr = plsc.load_gather(dinv_v, [rowf_v[s]])
            dc = plsc.load_gather(dinv_v, [colf_v[s]])
            norm_v[s] = dr * ew_v[s] * dc
            return carry1

        lax.fori_loop(0, SEG // 16, nloop, 0)

        def cloop(c, carry1):
            pltpu.async_copy(
                xlin_hbm.at[rowf_v.at[pl.ds(c * CHUNK, CHUNK)]], rows_v, gsem
            ).wait()

            def eloop(e, carry2):
                splat = plsc.load_gather(
                    norm_v, [jnp.full((16,), c * CHUNK + e, jnp.int32)])
                for j in range(8):
                    sl = pl.ds(j * 16, 16)
                    rows_v[e, sl] = rows_v[e, sl] * splat
                return carry2

            lax.fori_loop(0, CHUNK, eloop, 0)
            pltpu.sync_copy(rows_v, acc.at[col2d_v.at[c]], add=True)
            return carry1

        lax.fori_loop(0, CPS, cloop, 0)
        return carry

    lax.fori_loop(0, NSEG, sloop, 0)
    plsc.subcore_barrier()
    pltpu.sync_copy(acc.at[pl.ds(sid * rows_per_sub, rows_per_sub)],
                    out_hbm.at[0, pl.ds(sid * rows_per_sub, rows_per_sub)])


def _run_edges(xlin, dinv_flat, rowf2, colf2, col3, ew2):
    f = pl.kernel(
        _edge_kernel,
        out_type=jax.ShapeDtypeStruct((P2C, NP, D), jnp.float32),
        mesh=plsc.VectorSubcoreMesh(core_axis_name="c", subcore_axis_name="s",
                                    num_cores=P2C),
        compiler_params=pltpu.CompilerParams(needs_layout_passes=False),
        scratch_types=[
            pltpu.VMEM((NP,), jnp.float32),
            pltpu.VMEM((SEG,), jnp.int32),
            pltpu.VMEM((SEG,), jnp.int32),
            pltpu.VMEM((SEG,), jnp.float32),
            pltpu.VMEM((CPS, CHUNK), jnp.int32),
            pltpu.VMEM((SEG,), jnp.float32),
            pltpu.VMEM((CHUNK, D), jnp.float32),
            pltpu.VMEM((32, D), jnp.float32),
            pltpu.VMEM_SHARED((NP, D), jnp.float32),
            pltpu.SemaphoreType.DMA,
        ],
    )
    return f(xlin, dinv_flat, rowf2, colf2, col3, ew2)


def _tc2_kernel(x_ref, parts_ref, xlin_ref, dinv_ref, pe_ref, w_ref, lb_ref,
                gb_ref, out_ref):
    dinv = dinv_ref[...]
    edge_sum = parts_ref[0]
    for c in range(1, P2C):
        edge_sum = edge_sum + parts_ref[c]
    embed = edge_sum + xlin_ref[...] * (dinv * dinv) + gb_ref[...]
    base = embed[:, None, :] + (pe_ref[...] + lb_ref[...])[None, :, :]
    xb = x_ref[0][:, :, None]
    out_ref[0] = xb * w_ref[...][None, :, :] + base


def _run_tc2(x3, parts, xlin, dinv, pe, w_row, lb_row, gb_row):
    nb = 400
    grid = (N // nb, B)
    return pl.pallas_call(
        _tc2_kernel,
        grid=grid,
        in_specs=[
            pl.BlockSpec((1, nb, T), lambda n, b: (b, n, 0)),
            pl.BlockSpec((P2C, nb, D), lambda n, b: (0, n, 0)),
            pl.BlockSpec((nb, D), lambda n, b: (n, 0)),
            pl.BlockSpec((nb, 1), lambda n, b: (n, 0)),
            pl.BlockSpec((T, D), lambda n, b: (0, 0)),
            pl.BlockSpec((1, D), lambda n, b: (0, 0)),
            pl.BlockSpec((1, D), lambda n, b: (0, 0)),
            pl.BlockSpec((1, D), lambda n, b: (0, 0)),
        ],
        out_specs=pl.BlockSpec((1, nb, T, D), lambda n, b: (b, n, 0, 0)),
        out_shape=jax.ShapeDtypeStruct((B, N, T, D), jnp.float32),
    )(x3, parts, xlin, dinv, pe, w_row, lb_row, gb_row)


def kernel(x, x_mark, edge_index, weights, lin_W, lin_b, emb_table, gcn_W,
           gcn_b):
    del x_mark
    row = edge_index[0]
    col = edge_index[1]
    colf1 = col.reshape(NW, EPW)
    ew1 = weights.reshape(NW, EPW)
    rowf2 = row.reshape(NW2, NSEG, SEG)
    colf2 = col.reshape(NW2, NSEG, SEG)
    col3 = col.reshape(NW2, NSEG, CPS, CHUNK)
    ew2 = weights.reshape(NW2, NSEG, SEG)

    emb_pad = jnp.pad(emb_table, ((0, NP - N), (0, 0)))
    gcn_Wt = gcn_W.T

    deg_parts = _run_deg(colf1, ew1)
    degT = deg_parts.T
    xlin, dinv = _run_tc1(emb_pad, gcn_Wt, degT)
    parts = _run_edges(xlin, dinv.reshape(NP), rowf2, colf2, col3, ew2)

    x3 = x[..., 0]
    pe = jnp.asarray(_pe)
    w_row = lin_W.reshape(1, D)
    lb_row = lin_b.reshape(1, D)
    gb_row = gcn_b.reshape(1, D)
    out = _run_tc2(x3, parts, xlin, dinv, pe, w_row, lb_row, gb_row)
    return out

# --- scband reference (transcript-rebuilt; emitter-appended) ---
"""Pipeline reference for scband-data-embedding-56470230007867 (READ-ONLY COPY).

The authoritative reference and input builder live on the scoring server;
editing this copy changes nothing except your own understanding.
"""

import jax, jax.numpy as jnp
import numpy as np
import math

B = 4
N_NODES = 10000
N_EDGES = 320000
T = 12
C_IN = 1
D_MODEL = 128
MAX_LEN = 5000


def _positional_encoding(t, d):
    position = jnp.arange(MAX_LEN, dtype=jnp.float32)[:, None]
    div_term = jnp.exp(jnp.arange(0, d, 2, dtype=jnp.float32) * (-(math.log(10000.0) / d)))
    pe = jnp.zeros((MAX_LEN, d), dtype=jnp.float32)
    pe = pe.at[:, 0::2].set(jnp.sin(position * div_term))
    pe = pe.at[:, 1::2].set(jnp.cos(position * div_term))
    # pe buffer is [1, 1, max_len, d]; forward slices first t positions of dim 2
    return pe[None, None, :t, :]


def _gcn_conv(x, edge_index, edge_weight, W, b):
    # x: [1, N, d_in]; torch_geometric GCNConv semantics with edge_weight
    n = x.shape[-2]
    x_lin = x @ W.T  # lin has no bias in GCNConv
    loop = jnp.arange(n, dtype=edge_index.dtype)
    row = jnp.concatenate([edge_index[0], loop])  # source
    col = jnp.concatenate([edge_index[1], loop])  # target
    ew = jnp.concatenate([edge_weight, jnp.ones((n,), dtype=edge_weight.dtype)])
    deg = jnp.zeros((n,), dtype=edge_weight.dtype).at[col].add(ew)
    dinv = jnp.where(deg > 0, 1.0 / jnp.sqrt(deg), 0.0)
    norm = dinv[row] * ew * dinv[col]
    msgs = x_lin[:, row, :] * norm[None, :, None]  # gather sources
    out = jnp.zeros_like(x_lin).at[:, col, :].add(msgs)  # scatter-add to targets
    return out + b


def setup_inputs(seed: int = 0) -> dict:
    key = jax.random.key(seed)
    ks = jax.random.split(key, 8)
    x = jax.random.normal(ks[0], (B, N_NODES, T, C_IN), dtype=jnp.float32)
    x_mark = jax.random.normal(ks[1], (B, N_NODES, T, 4), dtype=jnp.float32)
    edge_index = jax.random.randint(ks[2], (2, N_EDGES), 0, N_NODES, dtype=jnp.int32)
    weights = jax.random.uniform(ks[3], (N_EDGES,), dtype=jnp.float32)
    lin_W = jax.random.normal(ks[4], (D_MODEL, C_IN), dtype=jnp.float32) * 0.02
    lin_b = jnp.zeros((D_MODEL,), dtype=jnp.float32)
    emb_table = jax.random.normal(ks[5], (N_NODES, D_MODEL), dtype=jnp.float32) * 0.02
    gcn_W = jax.random.normal(ks[6], (D_MODEL, D_MODEL), dtype=jnp.float32) * 0.02
    gcn_b = jnp.zeros((D_MODEL,), dtype=jnp.float32)
    return {"x": x, "x_mark": x_mark, "edge_index": edge_index, "weights": weights,
            "lin_W": lin_W, "lin_b": lin_b, "emb_table": emb_table,
            "gcn_W": gcn_W, "gcn_b": gcn_b}


def reference(x, x_mark, edge_index, weights, lin_W, lin_b, emb_table, gcn_W, gcn_b):
    # x: [B, N, T, c_in]; x_mark is accepted but unused by the original forward
    h = x @ lin_W.T + lin_b  # [B, N, T, d_model]
    pe = _positional_encoding(h.shape[2], h.shape[-1])  # [1, 1, T, d]
    # TokenEmbedding: embedding(arange(N)) -> [1, N, d] -> GCNConv -> [1, N, 1, d]
    embed = emb_table[None, :, :]
    embed = _gcn_conv(embed, edge_index, weights, gcn_W, gcn_b)
    embed = embed[:, :, None, :]
    out = h + pe + embed
    # original: self.dropout(x.detach()) -- dropout is identity in eval; detach -> stop_gradient
    return jax.lax.stop_gradient(out)

if __name__ == "__main__":
    import jax
    _d = setup_inputs()
    print(jax.jit(kernel)(*tuple(_d.values())))

</pallas_src>

<mosaic_0001>
#map = affine_map<(d0, d1) -> (0, 0)>
module attributes {stable_mosaic.version = 14 : i64} {
  func.func @_deg_kernel(%arg0: i32, %arg1: i32, %arg2: memref<32x10000xi32, #tpu.memory_space<hbm>>, %arg3: memref<32x10000xf32, #tpu.memory_space<hbm>>, %arg4: memref<32x10240xf32, #tpu.memory_space<hbm>>, %arg5: memref<10000xi32, #tpu.memory_space<vmem>>, %arg6: memref<10000xf32, #tpu.memory_space<vmem>>, %arg7: memref<10240xf32, #tpu.memory_space<vmem>>) attributes {dimension_semantics = [#tpu.dimension_semantics<core_parallel>, #tpu.dimension_semantics<subcore_parallel>], iteration_bounds = array<i64: 2, 16>, scalar_prefetch = 0 : i64, scratch_operands = 3 : i64, tpu.core_type = #tpu.core_type<sc_vector_subcore>, window_params = [{transform_indices = #map}, {transform_indices = #map}, {transform_indices = #map}]} {
    %mul3A = arith.constant 2 : i32
    %mul3A_0 = arith.muli %arg1, %mul3A : i32
    %add3A = arith.addi %mul3A_0, %arg0 : i32
    "tpu.region"() ({
      %run_scoped3A = tpu.sem_alloc : memref<!tpu.dma_semaphore, #tpu.memory_space<semaphore_mem>>
      %dma_start3A = arith.constant 0 : i32
      %dma_start3A_13 = tpu.memref_slice %arg2[%add3A, %dma_start3A] : memref<32x10000xi32, #tpu.memory_space<hbm>> -> memref<1x10000xi32, #tpu.memory_space<hbm>>
      %dma_start3A_14 = tpu.memref_squeeze %dma_start3A_13 : memref<1x10000xi32, #tpu.memory_space<hbm>> -> memref<10000xi32, #tpu.memory_space<hbm>>
      %dma_start3A_15 = arith.constant 0 : i32
      %dma_start3A_16 = tpu.memref_slice %arg2[%add3A, %dma_start3A_15] : memref<32x10000xi32, #tpu.memory_space<hbm>> -> memref<1x10000xi32, #tpu.memory_space<hbm>>
      %dma_start3A_17 = tpu.memref_squeeze %dma_start3A_16 : memref<1x10000xi32, #tpu.memory_space<hbm>> -> memref<10000xi32, #tpu.memory_space<hbm>>
      tpu.enqueue_dma source(%dma_start3A_17 : memref<10000xi32, #tpu.memory_space<hbm>>) target(%arg5 : memref<10000xi32, #tpu.memory_space<vmem>>) target_semaphore(%run_scoped3A : memref<!tpu.dma_semaphore, #tpu.memory_space<semaphore_mem>>)
      %dma_wait3A = arith.constant 0 : i32
      %dma_wait3A_18 = tpu.memref_slice %arg2[%add3A, %dma_wait3A] : memref<32x10000xi32, #tpu.memory_space<hbm>> -> memref<1x10000xi32, #tpu.memory_space<hbm>>
      %dma_wait3A_19 = tpu.memref_squeeze %dma_wait3A_18 : memref<1x10000xi32, #tpu.memory_space<hbm>> -> memref<10000xi32, #tpu.memory_space<hbm>>
      %dma_wait3A_20 = arith.constant 0 : i32
      %dma_wait3A_21 = tpu.memref_slice %arg2[%add3A, %dma_wait3A_20] : memref<32x10000xi32, #tpu.memory_space<hbm>> -> memref<1x10000xi32, #tpu.memory_space<hbm>>
      %dma_wait3A_22 = tpu.memref_squeeze %dma_wait3A_21 : memref<1x10000xi32, #tpu.memory_space<hbm>> -> memref<10000xi32, #tpu.memory_space<hbm>>
      tpu.wait_dma2 semaphore(%run_scoped3A : memref<!tpu.dma_semaphore, #tpu.memory_space<semaphore_mem>>) src(%dma_wait3A_22 : memref<10000xi32, #tpu.memory_space<hbm>>) dst(%arg5 : memref<10000xi32, #tpu.memory_space<vmem>>)
      tpu.yield
    }) : () -> ()
    "tpu.region"() ({
      %run_scoped3A = tpu.sem_alloc : memref<!tpu.dma_semaphore, #tpu.memory_space<semaphore_mem>>
      %dma_start3A = arith.constant 0 : i32
      %dma_start3A_13 = tpu.memref_slice %arg3[%add3A, %dma_start3A] : memref<32x10000xf32, #tpu.memory_space<hbm>> -> memref<1x10000xf32, #tpu.memory_space<hbm>>
      %dma_start3A_14 = tpu.memref_squeeze %dma_start3A_13 : memref<1x10000xf32, #tpu.memory_space<hbm>> -> memref<10000xf32, #tpu.memory_space<hbm>>
      %dma_start3A_15 = arith.constant 0 : i32
      %dma_start3A_16 = tpu.memref_slice %arg3[%add3A, %dma_start3A_15] : memref<32x10000xf32, #tpu.memory_space<hbm>> -> memref<1x10000xf32, #tpu.memory_space<hbm>>
      %dma_start3A_17 = tpu.memref_squeeze %dma_start3A_16 : memref<1x10000xf32, #tpu.memory_space<hbm>> -> memref<10000xf32, #tpu.memory_space<hbm>>
      tpu.enqueue_dma source(%dma_start3A_17 : memref<10000xf32, #tpu.memory_space<hbm>>) target(%arg6 : memref<10000xf32, #tpu.memory_space<vmem>>) target_semaphore(%run_scoped3A : memref<!tpu.dma_semaphore, #tpu.memory_space<semaphore_mem>>)
      %dma_wait3A = arith.constant 0 : i32
      %dma_wait3A_18 = tpu.memref_slice %arg3[%add3A, %dma_wait3A] : memref<32x10000xf32, #tpu.memory_space<hbm>> -> memref<1x10000xf32, #tpu.memory_space<hbm>>
      %dma_wait3A_19 = tpu.memref_squeeze %dma_wait3A_18 : memref<1x10000xf32, #tpu.memory_space<hbm>> -> memref<10000xf32, #tpu.memory_space<hbm>>
      %dma_wait3A_20 = arith.constant 0 : i32
      %dma_wait3A_21 = tpu.memref_slice %arg3[%add3A, %dma_wait3A_20] : memref<32x10000xf32, #tpu.memory_space<hbm>> -> memref<1x10000xf32, #tpu.memory_space<hbm>>
      %dma_wait3A_22 = tpu.memref_squeeze %dma_wait3A_21 : memref<1x10000xf32, #tpu.memory_space<hbm>> -> memref<10000xf32, #tpu.memory_space<hbm>>
      tpu.wait_dma2 semaphore(%run_scoped3A : memref<!tpu.dma_semaphore, #tpu.memory_space<semaphore_mem>>) src(%dma_wait3A_22 : memref<10000xf32, #tpu.memory_space<hbm>>) dst(%arg6 : memref<10000xf32, #tpu.memory_space<vmem>>)
      tpu.yield
    }) : () -> ()
    %broadcast_in_dim3A = arith.constant 0.000000e+00 : f32
    %broadcast_in_dim3A_1 = vector.broadcast %broadcast_in_dim3A : f32 to vector<16xf32>
    %scan3A = arith.constant 0 : i32
    %scan3A_2 = arith.constant 0 : i32
    %scan3A_3 = arith.constant 640 : i32
    %scan3A_4 = arith.addi %scan3A_2, %scan3A_3 : i32
    %scan3A_5 = arith.constant 1 : i32
    scf.for %scan3A_13 = %scan3A_2 to %scan3A_4 step %scan3A_5  : i32 {
      %mul3A_14 = arith.constant 16 : i32
      %mul3A_15 = arith.muli %scan3A_13, %mul3A_14 : i32
      %swap3A = arith.index_cast %mul3A_15 : i32 to index
      %swap3A_16 = tpu.vector_load %arg7[%swap3A] {strides = array<i32>} : memref<10240xf32, #tpu.memory_space<vmem>>, vector<16xf32>,
      tpu.vector_store %arg7[%swap3A], %broadcast_in_dim3A_1 {strides = array<i32>} : memref<10240xf32, #tpu.memory_space<vmem>>, vector<16xf32>,
    }
    %scan3A_6 = arith.constant 640 : i32
    %scan3A_7 = arith.constant 0 : i32
    %scan3A_8 = arith.constant 0 : i32
    %scan3A_9 = arith.constant 625 : i32
    %scan3A_10 = arith.addi %scan3A_8, %scan3A_9 : i32
    %scan3A_11 = arith.constant 1 : i32
    scf.for %scan3A_13 = %scan3A_8 to %scan3A_10 step %scan3A_11  : i32 {
      %mul3A_14 = arith.constant 16 : i32
      %mul3A_15 = arith.muli %scan3A_13, %mul3A_14 : i32
      %get3A = arith.index_cast %mul3A_15 : i32 to index
      %get3A_16 = tpu.vector_load %arg5[%get3A] {strides = array<i32>} : memref<10000xi32, #tpu.memory_space<vmem>>, vector<16xi32>,
      %get3A_17 = arith.index_cast %mul3A_15 : i32 to index
      %get3A_18 = tpu.vector_load %arg6[%get3A_17] {strides = array<i32>} : memref<10000xf32, #tpu.memory_space<vmem>>, vector<16xf32>,
      tpu.vector_store_idx %arg7[%get3A_16], %get3A_18 {add = true} : memref<10240xf32, #tpu.memory_space<vmem>>[vector<16xi32>], vector<16xf32>,
    }
    %scan3A_12 = arith.constant 625 : i32
    "tpu.region"() ({
      %run_scoped3A = tpu.sem_alloc : memref<!tpu.dma_semaphore, #tpu.memory_space<semaphore_mem>>
      %dma_start3A = arith.constant 0 : i32
      %dma_start3A_13 = tpu.memref_slice %arg4[%add3A, %dma_start3A] : memref<32x10240xf32, #tpu.memory_space<hbm>> -> memref<1x10240xf32, #tpu.memory_space<hbm>>
      %dma_start3A_14 = tpu.memref_squeeze %dma_start3A_13 : memref<1x10240xf32, #tpu.memory_space<hbm>> -> memref<10240xf32, #tpu.memory_space<hbm>>
      %dma_start3A_15 = arith.constant 0 : i32
      %dma_start3A_16 = tpu.memref_slice %arg4[%add3A, %dma_start3A_15] : memref<32x10240xf32, #tpu.memory_space<hbm>> -> memref<1x10240xf32, #tpu.memory_space<hbm>>
      %dma_start3A_17 = tpu.memref_squeeze %dma_start3A_16 : memref<1x10240xf32, #tpu.memory_space<hbm>> -> memref<10240xf32, #tpu.memory_space<hbm>>
      tpu.enqueue_dma source(%arg7 : memref<10240xf32, #tpu.memory_space<vmem>>) target(%dma_start3A_17 : memref<10240xf32, #tpu.memory_space<hbm>>) target_semaphore(%run_scoped3A : memref<!tpu.dma_semaphore, #tpu.memory_space<semaphore_mem>>)
      %dma_wait3A = arith.constant 0 : i32
      %dma_wait3A_18 = tpu.memref_slice %arg4[%add3A, %dma_wait3A] : memref<32x10240xf32, #tpu.memory_space<hbm>> -> memref<1x10240xf32, #tpu.memory_space<hbm>>
      %dma_wait3A_19 = tpu.memref_squeeze %dma_wait3A_18 : memref<1x10240xf32, #tpu.memory_space<hbm>> -> memref<10240xf32, #tpu.memory_space<hbm>>
      %dma_wait3A_20 = arith.constant 0 : i32
      %dma_wait3A_21 = tpu.memref_slice %arg4[%add3A, %dma_wait3A_20] : memref<32x10240xf32, #tpu.memory_space<hbm>> -> memref<1x10240xf32, #tpu.memory_space<hbm>>
      %dma_wait3A_22 = tpu.memref_squeeze %dma_wait3A_21 : memref<1x10240xf32, #tpu.memory_space<hbm>> -> memref<10240xf32, #tpu.memory_space<hbm>>
      tpu.wait_dma2 semaphore(%run_scoped3A : memref<!tpu.dma_semaphore, #tpu.memory_space<semaphore_mem>>) src(%arg7 : memref<10240xf32, #tpu.memory_space<vmem>>) dst(%dma_wait3A_22 : memref<10240xf32, #tpu.memory_space<hbm>>)
      tpu.yield
    }) : () -> ()
    return
  }
}

#map = affine_map<(d0, d1) -> (0, 0)>
#map1 = affine_map<(d0, d1) -> (0)>
#map2 = affine_map<(d0, d1) -> (0, 0, 0)>
#map3 = affine_map<(d0, d1) -> (0, 0, 0, 0)>
module attributes {stable_mosaic.version = 14 : i64} {
  func.func @_edge_kernel(%arg0: i32, %arg1: i32, %arg2: memref<10240x128xf32, #tpu.memory_space<hbm>>, %arg3: memref<10240xf32, #tpu.memory_space<hbm>>, %arg4: memref<16x10x2000xi32, #tpu.memory_space<hbm>>, %arg5: memref<16x10x2000xi32, #tpu.memory_space<hbm>>, %arg6: memref<16x10x25x80xi32, #tpu.memory_space<hbm>>, %arg7: memref<16x10x2000xf32, #tpu.memory_space<hbm>>, %arg8: memref<1x10240x128xf32, #tpu.memory_space<hbm>>, %arg9: memref<10240xf32, #tpu.memory_space<vmem>>, %arg10: memref<2000xi32, #tpu.memory_space<vmem>>, %arg11: memref<2000xi32, #tpu.memory_space<vmem>>, %arg12: memref<2000xf32, #tpu.memory_space<vmem>>, %arg13: memref<25x80xi32, #tpu.memory_space<vmem>>, %arg14: memref<2000xf32, #tpu.memory_space<vmem>>, %arg15: memref<80x128xf32, #tpu.memory_space<vmem>>, %arg16: memref<32x128xf32, #tpu.memory_space<vmem>>, %arg17: memref<10240x128xf32, #tpu.memory_space<vmem_shared>>, %arg18: memref<!tpu.dma_semaphore, #tpu.memory_space<semaphore_mem>>) attributes {dimension_semantics = [#tpu.dimension_semantics<core_parallel>, #tpu.dimension_semantics<subcore_parallel>], iteration_bounds = array<i64: 1, 16>, scalar_prefetch = 0 : i64, scratch_operands = 10 : i64, tpu.core_type = #tpu.core_type<sc_vector_subcore>, window_params = [{transform_indices = #map}, {transform_indices = #map1}, {transform_indices = #map2}, {transform_indices = #map2}, {transform_indices = #map3}, {transform_indices = #map2}, {transform_indices = #map2}]} {
    "tpu.region"() ({
      %run_scoped3A_95 = tpu.sem_alloc : memref<!tpu.dma_semaphore, #tpu.memory_space<semaphore_mem>>
      tpu.enqueue_dma source(%arg3 : memref<10240xf32, #tpu.memory_space<hbm>>) target(%arg9 : memref<10240xf32, #tpu.memory_space<vmem>>) target_semaphore(%run_scoped3A_95 : memref<!tpu.dma_semaphore, #tpu.memory_space<semaphore_mem>>)
      tpu.wait_dma2 semaphore(%run_scoped3A_95 : memref<!tpu.dma_semaphore, #tpu.memory_space<semaphore_mem>>) src(%arg3 : memref<10240xf32, #tpu.memory_space<hbm>>) dst(%arg9 : memref<10240xf32, #tpu.memory_space<vmem>>)
      tpu.yield
    }) : () -> ()
    %broadcast_in_dim3A = arith.constant 0.000000e+00 : f32
    %broadcast_in_dim3A_0 = vector.broadcast %broadcast_in_dim3A : f32 to vector<16xf32>
    %scan3A = arith.constant 0 : i32
    %scan3A_1 = arith.constant 0 : i32
    %scan3A_2 = arith.constant 32 : i32
    %scan3A_3 = arith.addi %scan3A_1, %scan3A_2 : i32
    %scan3A_4 = arith.constant 1 : i32
    scf.for %scan3A_95 = %scan3A_1 to %scan3A_3 step %scan3A_4  : i32 {
      %swap3A = arith.index_cast %scan3A_95 : i32 to index
      %swap3A_96 = arith.constant 0 : index
      %swap3A_97 = tpu.vector_load %arg16[%swap3A, %swap3A_96] {strides = array<i32>} : memref<32x128xf32, #tpu.memory_space<vmem>>, vector<16xf32>,
      tpu.vector_store %arg16[%swap3A, %swap3A_96], %broadcast_in_dim3A_0 {strides = array<i32>} : memref<32x128xf32, #tpu.memory_space<vmem>>, vector<16xf32>,
      %swap3A_98 = arith.index_cast %scan3A_95 : i32 to index
      %swap3A_99 = arith.constant 16 : index
      %swap3A_100 = tpu.vector_load %arg16[%swap3A_98, %swap3A_99] {strides = array<i32>} : memref<32x128xf32, #tpu.memory_space<vmem>>, vector<16xf32>,
      tpu.vector_store %arg16[%swap3A_98, %swap3A_99], %broadcast_in_dim3A_0 {strides = array<i32>} : memref<32x128xf32, #tpu.memory_space<vmem>>, vector<16xf32>,
      %swap3A_101 = arith.index_cast %scan3A_95 : i32 to index
      %swap3A_102 = arith.constant 32 : index
      %swap3A_103 = tpu.vector_load %arg16[%swap3A_101, %swap3A_102] {strides = array<i32>} : memref<32x128xf32, #tpu.memory_space<vmem>>, vector<16xf32>,
      tpu.vector_store %arg16[%swap3A_101, %swap3A_102], %broadcast_in_dim3A_0 {strides = array<i32>} : memref<32x128xf32, #tpu.memory_space<vmem>>, vector<16xf32>,
      %swap3A_104 = arith.index_cast %scan3A_95 : i32 to index
      %swap3A_105 = arith.constant 48 : index
      %swap3A_106 = tpu.vector_load %arg16[%swap3A_104, %swap3A_105] {strides = array<i32>} : memref<32x128xf32, #tpu.memory_space<vmem>>, vector<16xf32>,
      tpu.vector_store %arg16[%swap3A_104, %swap3A_105], %broadcast_in_dim3A_0 {strides = array<i32>} : memref<32x128xf32, #tpu.memory_space<vmem>>, vector<16xf32>,
      %swap3A_107 = arith.index_cast %scan3A_95 : i32 to index
      %swap3A_108 = arith.constant 64 : index
      %swap3A_109 = tpu.vector_load %arg16[%swap3A_107, %swap3A_108] {strides = array<i32>} : memref<32x128xf32, #tpu.memory_space<vmem>>, vector<16xf32>,
      tpu.vector_store %arg16[%swap3A_107, %swap3A_108], %broadcast_in_dim3A_0 {strides = array<i32>} : memref<32x128xf32, #tpu.memory_space<vmem>>, vector<16xf32>,
      %swap3A_110 = arith.index_cast %scan3A_95 : i32 to index
      %swap3A_111 = arith.constant 80 : index
      %swap3A_112 = tpu.vector_load %arg16[%swap3A_110, %swap3A_111] {strides = array<i32>} : memref<32x128xf32, #tpu.memory_space<vmem>>, vector<16xf32>,
      tpu.vector_store %arg16[%swap3A_110, %swap3A_111], %broadcast_in_dim3A_0 {strides = array<i32>} : memref<32x128xf32, #tpu.memory_space<vmem>>, vector<16xf32>,
      %swap3A_113 = arith.index_cast %scan3A_95 : i32 to index
      %swap3A_114 = arith.constant 96 : index
      %swap3A_115 = tpu.vector_load %arg16[%swap3A_113, %swap3A_114] {strides = array<i32>} : memref<32x128xf32, #tpu.memory_space<vmem>>, vector<16xf32>,
      tpu.vector_store %arg16[%swap3A_113, %swap3A_114], %broadcast_in_dim3A_0 {strides = array<i32>} : memref<32x128xf32, #tpu.memory_space<vmem>>, vector<16xf32>,
      %swap3A_116 = arith.index_cast %scan3A_95 : i32 to index
      %swap3A_117 = arith.constant 112 : index
      %swap3A_118 = tpu.vector_load %arg16[%swap3A_116, %swap3A_117] {strides = array<i32>} : memref<32x128xf32, #tpu.memory_space<vmem>>, vector<16xf32>,
      tpu.vector_store %arg16[%swap3A_116, %swap3A_117], %broadcast_in_dim3A_0 {strides = array<i32>} : memref<32x128xf32, #tpu.memory_space<vmem>>, vector<16xf32>,
    }
    %scan3A_5 = arith.constant 32 : i32
    %mul3A = arith.constant 640 : i32
    %mul3A_6 = arith.muli %arg1, %mul3A : i32
    %add3A = arith.constant 0 : i32
    %add3A_7 = arith.addi %mul3A_6, %add3A : i32
    "tpu.region"() ({
      %run_scoped3A_95 = tpu.sem_alloc : memref<!tpu.dma_semaphore, #tpu.memory_space<semaphore_mem>>
      %dma_start3A = arith.constant 0 : i32
      %dma_start3A_96 = tpu.memref_slice %arg17[%add3A_7, %dma_start3A] : memref<10240x128xf32, #tpu.memory_space<vmem_shared>> -> memref<32x128xf32, #tpu.memory_space<vmem_shared>>
      %dma_start3A_97 = arith.constant 0 : i32
      %dma_start3A_98 = tpu.memref_slice %arg17[%add3A_7, %dma_start3A_97] : memref<10240x128xf32, #tpu.memory_space<vmem_shared>> -> memref<32x128xf32, #tpu.memory_space<vmem_shared>>
      tpu.enqueue_dma source(%arg16 : memref<32x128xf32, #tpu.memory_space<vmem>>) target(%dma_start3A_98 : memref<32x128xf32, #tpu.memory_space<vmem_shared>>) target_semaphore(%run_scoped3A_95 : memref<!tpu.dma_semaphore, #tpu.memory_space<semaphore_mem>>)
      %dma_wait3A = arith.constant 0 : i32
      %dma_wait3A_99 = tpu.memref_slice %arg17[%add3A_7, %dma_wait3A] : memref<10240x128xf32, #tpu.memory_space<vmem_shared>> -> memref<32x128xf32, #tpu.memory_space<vmem_shared>>
      %dma_wait3A_100 = arith.constant 0 : i32
      %dma_wait3A_101 = tpu.memref_slice %arg17[%add3A_7, %dma_wait3A_100] : memref<10240x128xf32, #tpu.memory_space<vmem_shared>> -> memref<32x128xf32, #tpu.memory_space<vmem_shared>>
      tpu.wait_dma2 semaphore(%run_scoped3A_95 : memref<!tpu.dma_semaphore, #tpu.memory_space<semaphore_mem>>) src(%arg16 : memref<32x128xf32, #tpu.memory_space<vmem>>) dst(%dma_wait3A_101 : memref<32x128xf32, #tpu.memory_space<vmem_shared>>)
      tpu.yield
    }) : () -> ()
    %mul3A_8 = arith.constant 640 : i32
    %mul3A_9 = arith.muli %arg1, %mul3A_8 : i32
    %add3A_10 = arith.constant 32 : i32
    %add3A_11 = arith.addi %mul3A_9, %add3A_10 : i32
    "tpu.region"() ({
      %run_scoped3A_95 = tpu.sem_alloc : memref<!tpu.dma_semaphore, #tpu.memory_space<semaphore_mem>>
      %dma_start3A = arith.constant 0 : i32
      %dma_start3A_96 = tpu.memref_slice %arg17[%add3A_11, %dma_start3A] : memref<10240x128xf32, #tpu.memory_space<vmem_shared>> -> memref<32x128xf32, #tpu.memory_space<vmem_shared>>
      %dma_start3A_97 = arith.constant 0 : i32
      %dma_start3A_98 = tpu.memref_slice %arg17[%add3A_11, %dma_start3A_97] : memref<10240x128xf32, #tpu.memory_space<vmem_shared>> -> memref<32x128xf32, #tpu.memory_space<vmem_shared>>
      tpu.enqueue_dma source(%arg16 : memref<32x128xf32, #tpu.memory_space<vmem>>) target(%dma_start3A_98 : memref<32x128xf32, #tpu.memory_space<vmem_shared>>) target_semaphore(%run_scoped3A_95 : memref<!tpu.dma_semaphore, #tpu.memory_space<semaphore_mem>>)
      %dma_wait3A = arith.constant 0 : i32
      %dma_wait3A_99 = tpu.memref_slice %arg17[%add3A_11, %dma_wait3A] : memref<10240x128xf32, #tpu.memory_space<vmem_shared>> -> memref<32x128xf32, #tpu.memory_space<vmem_shared>>
      %dma_wait3A_100 = arith.constant 0 : i32
      %dma_wait3A_101 = tpu.memref_slice %arg17[%add3A_11, %dma_wait3A_100] : memref<10240x128xf32, #tpu.memory_space<vmem_shared>> -> memref<32x128xf32, #tpu.memory_space<vmem_shared>>
      tpu.wait_dma2 semaphore(%run_scoped3A_95 : memref<!tpu.dma_semaphore, #tpu.memory_space<semaphore_mem>>) src(%arg16 : memref<32x128xf32, #tpu.memory_space<vmem>>) dst(%dma_wait3A_101 : memref<32x128xf32, #tpu.memory_space<vmem_shared>>)
      tpu.yield
    }) : () -> ()
    %mul3A_12 = arith.constant 640 : i32
    %mul3A_13 = arith.muli %arg1, %mul3A_12 : i32
    %add3A_14 = arith.constant 64 : i32
    %add3A_15 = arith.addi %mul3A_13, %add3A_14 : i32
    "tpu.region"() ({
      %run_scoped3A_95 = tpu.sem_alloc : memref<!tpu.dma_semaphore, #tpu.memory_space<semaphore_mem>>
      %dma_start3A = arith.constant 0 : i32
      %dma_start3A_96 = tpu.memref_slice %arg17[%add3A_15, %dma_start3A] : memref<10240x128xf32, #tpu.memory_space<vmem_shared>> -> memref<32x128xf32, #tpu.memory_space<vmem_shared>>
      %dma_start3A_97 = arith.constant 0 : i32
      %dma_start3A_98 = tpu.memref_slice %arg17[%add3A_15, %dma_start3A_97] : memref<10240x128xf32, #tpu.memory_space<vmem_shared>> -> memref<32x128xf32, #tpu.memory_space<vmem_shared>>
      tpu.enqueue_dma source(%arg16 : memref<32x128xf32, #tpu.memory_space<vmem>>) target(%dma_start3A_98 : memref<32x128xf32, #tpu.memory_space<vmem_shared>>) target_semaphore(%run_scoped3A_95 : memref<!tpu.dma_semaphore, #tpu.memory_space<semaphore_mem>>)
      %dma_wait3A = arith.constant 0 : i32
      %dma_wait3A_99 = tpu.memref_slice %arg17[%add3A_15, %dma_wait3A] : memref<10240x128xf32, #tpu.memory_space<vmem_shared>> -> memref<32x128xf32, #tpu.memory_space<vmem_shared>>
      %dma_wait3A_100 = arith.constant 0 : i32
      %dma_wait3A_101 = tpu.memref_slice %arg17[%add3A_15, %dma_wait3A_100] : memref<10240x128xf32, #tpu.memory_space<vmem_shared>> -> memref<32x128xf32, #tpu.memory_space<vmem_shared>>
      tpu.wait_dma2 semaphore(%run_scoped3A_95 : memref<!tpu.dma_semaphore, #tpu.memory_space<semaphore_mem>>) src(%arg16 : memref<32x128xf32, #tpu.memory_space<vmem>>) dst(%dma_wait3A_101 : memref<32x128xf32, #tpu.memory_space<vmem_shared>>)
      tpu.yield
    }) : () -> ()
    %mul3A_16 = arith.constant 640 : i32
    %mul3A_17 = arith.muli %arg1, %mul3A_16 : i32
    %add3A_18 = arith.constant 96 : i32
    %add3A_19 = arith.addi %mul3A_17, %add3A_18 : i32
    "tpu.region"() ({
      %run_scoped3A_95 = tpu.sem_alloc : memref<!tpu.dma_semaphore, #tpu.memory_space<semaphore_mem>>
      %dma_start3A = arith.constant 0 : i32
      %dma_start3A_96 = tpu.memref_slice %arg17[%add3A_19, %dma_start3A] : memref<10240x128xf32, #tpu.memory_space<vmem_shared>> -> memref<32x128xf32, #tpu.memory_space<vmem_shared>>
      %dma_start3A_97 = arith.constant 0 : i32
      %dma_start3A_98 = tpu.memref_slice %arg17[%add3A_19, %dma_start3A_97] : memref<10240x128xf32, #tpu.memory_space<vmem_shared>> -> memref<32x128xf32, #tpu.memory_space<vmem_shared>>
      tpu.enqueue_dma source(%arg16 : memref<32x128xf32, #tpu.memory_space<vmem>>) target(%dma_start3A_98 : memref<32x128xf32, #tpu.memory_space<vmem_shared>>) target_semaphore(%run_scoped3A_95 : memref<!tpu.dma_semaphore, #tpu.memory_space<semaphore_mem>>)
      %dma_wait3A = arith.constant 0 : i32
      %dma_wait3A_99 = tpu.memref_slice %arg17[%add3A_19, %dma_wait3A] : memref<10240x128xf32, #tpu.memory_space<vmem_shared>> -> memref<32x128xf32, #tpu.memory_space<vmem_shared>>
      %dma_wait3A_100 = arith.constant 0 : i32
      %dma_wait3A_101 = tpu.memref_slice %arg17[%add3A_19, %dma_wait3A_100] : memref<10240x128xf32, #tpu.memory_space<vmem_shared>> -> memref<32x128xf32, #tpu.memory_space<vmem_shared>>
      tpu.wait_dma2 semaphore(%run_scoped3A_95 : memref<!tpu.dma_semaphore, #tpu.memory_space<semaphore_mem>>) src(%arg16 : memref<32x128xf32, #tpu.memory_space<vmem>>) dst(%dma_wait3A_101 : memref<32x128xf32, #tpu.memory_space<vmem_shared>>)
      tpu.yield
    }) : () -> ()
    %mul3A_20 = arith.constant 640 : i32
    %mul3A_21 = arith.muli %arg1, %mul3A_20 : i32
    %add3A_22 = arith.constant 128 : i32
    %add3A_23 = arith.addi %mul3A_21, %add3A_22 : i32
    "tpu.region"() ({
      %run_scoped3A_95 = tpu.sem_alloc : memref<!tpu.dma_semaphore, #tpu.memory_space<semaphore_mem>>
      %dma_start3A = arith.constant 0 : i32
      %dma_start3A_96 = tpu.memref_slice %arg17[%add3A_23, %dma_start3A] : memref<10240x128xf32, #tpu.memory_space<vmem_shared>> -> memref<32x128xf32, #tpu.memory_space<vmem_shared>>
      %dma_start3A_97 = arith.constant 0 : i32
      %dma_start3A_98 = tpu.memref_slice %arg17[%add3A_23, %dma_start3A_97] : memref<10240x128xf32, #tpu.memory_space<vmem_shared>> -> memref<32x128xf32, #tpu.memory_space<vmem_shared>>
      tpu.enqueue_dma source(%arg16 : memref<32x128xf32, #tpu.memory_space<vmem>>) target(%dma_start3A_98 : memref<32x128xf32, #tpu.memory_space<vmem_shared>>) target_semaphore(%run_scoped3A_95 : memref<!tpu.dma_semaphore, #tpu.memory_space<semaphore_mem>>)
      %dma_wait3A = arith.constant 0 : i32
      %dma_wait3A_99 = tpu.memref_slice %arg17[%add3A_23, %dma_wait3A] : memref<10240x128xf32, #tpu.memory_space<vmem_shared>> -> memref<32x128xf32, #tpu.memory_space<vmem_shared>>
      %dma_wait3A_100 = arith.constant 0 : i32
      %dma_wait3A_101 = tpu.memref_slice %arg17[%add3A_23, %dma_wait3A_100] : memref<10240x128xf32, #tpu.memory_space<vmem_shared>> -> memref<32x128xf32, #tpu.memory_space<vmem_shared>>
      tpu.wait_dma2 semaphore(%run_scoped3A_95 : memref<!tpu.dma_semaphore, #tpu.memory_space<semaphore_mem>>) src(%arg16 : memref<32x128xf32, #tpu.memory_space<vmem>>) dst(%dma_wait3A_101 : memref<32x128xf32, #tpu.memory_space<vmem_shared>>)
      tpu.yield
    }) : () -> ()
    %mul3A_24 = arith.constant 640 : i32
    %mul3A_25 = arith.muli %arg1, %mul3A_24 : i32
    %add3A_26 = arith.constant 160 : i32
    %add3A_27 = arith.addi %mul3A_25, %add3A_26 : i32
    "tpu.region"() ({
      %run_scoped3A_95 = tpu.sem_alloc : memref<!tpu.dma_semaphore, #tpu.memory_space<semaphore_mem>>
      %dma_start3A = arith.constant 0 : i32
      %dma_start3A_96 = tpu.memref_slice %arg17[%add3A_27, %dma_start3A] : memref<10240x128xf32, #tpu.memory_space<vmem_shared>> -> memref<32x128xf32, #tpu.memory_space<vmem_shared>>
      %dma_start3A_97 = arith.constant 0 : i32
      %dma_start3A_98 = tpu.memref_slice %arg17[%add3A_27, %dma_start3A_97] : memref<10240x128xf32, #tpu.memory_space<vmem_shared>> -> memref<32x128xf32, #tpu.memory_space<vmem_shared>>
      tpu.enqueue_dma source(%arg16 : memref<32x128xf32, #tpu.memory_space<vmem>>) target(%dma_start3A_98 : memref<32x128xf32, #tpu.memory_space<vmem_shared>>) target_semaphore(%run_scoped3A_95 : memref<!tpu.dma_semaphore, #tpu.memory_space<semaphore_mem>>)
      %dma_wait3A = arith.constant 0 : i32
      %dma_wait3A_99 = tpu.memref_slice %arg17[%add3A_27, %dma_wait3A] : memref<10240x128xf32, #tpu.memory_space<vmem_shared>> -> memref<32x128xf32, #tpu.memory_space<vmem_shared>>
      %dma_wait3A_100 = arith.constant 0 : i32
      %dma_wait3A_101 = tpu.memref_slice %arg17[%add3A_27, %dma_wait3A_100] : memref<10240x128xf32, #tpu.memory_space<vmem_shared>> -> memref<32x128xf32, #tpu.memory_space<vmem_shared>>
      tpu.wait_dma2 semaphore(%run_scoped3A_95 : memref<!tpu.dma_semaphore, #tpu.memory_space<semaphore_mem>>) src(%arg16 : memref<32x128xf32, #tpu.memory_space<vmem>>) dst(%dma_wait3A_101 : memref<32x128xf32, #tpu.memory_space<vmem_shared>>)
      tpu.yield
    }) : () -> ()
    %mul3A_28 = arith.constant 640 : i32
    %mul3A_29 = arith.muli %arg1, %mul3A_28 : i32
    %add3A_30 = arith.constant 192 : i32
    %add3A_31 = arith.addi %mul3A_29, %add3A_30 : i32
    "tpu.region"() ({
      %run_scoped3A_95 = tpu.sem_alloc : memref<!tpu.dma_semaphore, #tpu.memory_space<semaphore_mem>>
      %dma_start3A = arith.constant 0 : i32
      %dma_start3A_96 = tpu.memref_slice %arg17[%add3A_31, %dma_start3A] : memref<10240x128xf32, #tpu.memory_space<vmem_shared>> -> memref<32x128xf32, #tpu.memory_space<vmem_shared>>
      %dma_start3A_97 = arith.constant 0 : i32
      %dma_start3A_98 = tpu.memref_slice %arg17[%add3A_31, %dma_start3A_97] : memref<10240x128xf32, #tpu.memory_space<vmem_shared>> -> memref<32x128xf32, #tpu.memory_space<vmem_shared>>
      tpu.enqueue_dma source(%arg16 : memref<32x128xf32, #tpu.memory_space<vmem>>) target(%dma_start3A_98 : memref<32x128xf32, #tpu.memory_space<vmem_shared>>) target_semaphore(%run_scoped3A_95 : memref<!tpu.dma_semaphore, #tpu.memory_space<semaphore_mem>>)
      %dma_wait3A = arith.constant 0 : i32
      %dma_wait3A_99 = tpu.memref_slice %arg17[%add3A_31, %dma_wait3A] : memref<10240x128xf32, #tpu.memory_space<vmem_shared>> -> memref<32x128xf32, #tpu.memory_space<vmem_shared>>
      %dma_wait3A_100 = arith.constant 0 : i32
      %dma_wait3A_101 = tpu.memref_slice %arg17[%add3A_31, %dma_wait3A_100] : memref<10240x128xf32, #tpu.memory_space<vmem_shared>> -> memref<32x128xf32, #tpu.memory_space<vmem_shared>>
      tpu.wait_dma2 semaphore(%run_scoped3A_95 : memref<!tpu.dma_semaphore, #tpu.memory_space<semaphore_mem>>) src(%arg16 : memref<32x128xf32, #tpu.memory_space<vmem>>) dst(%dma_wait3A_101 : memref<32x128xf32, #tpu.memory_space<vmem_shared>>)
      tpu.yield
    }) : () -> ()
    %mul3A_32 = arith.constant 640 : i32
    %mul3A_33 = arith.muli %arg1, %mul3A_32 : i32
    %add3A_34 = arith.constant 224 : i32
    %add3A_35 = arith.addi %mul3A_33, %add3A_34 : i32
    "tpu.region"() ({
      %run_scoped3A_95 = tpu.sem_alloc : memref<!tpu.dma_semaphore, #tpu.memory_space<semaphore_mem>>
      %dma_start3A = arith.constant 0 : i32
      %dma_start3A_96 = tpu.memref_slice %arg17[%add3A_35, %dma_start3A] : memref<10240x128xf32, #tpu.memory_space<vmem_shared>> -> memref<32x128xf32, #tpu.memory_space<vmem_shared>>
      %dma_start3A_97 = arith.constant 0 : i32
      %dma_start3A_98 = tpu.memref_slice %arg17[%add3A_35, %dma_start3A_97] : memref<10240x128xf32, #tpu.memory_space<vmem_shared>> -> memref<32x128xf32, #tpu.memory_space<vmem_shared>>
      tpu.enqueue_dma source(%arg16 : memref<32x128xf32, #tpu.memory_space<vmem>>) target(%dma_start3A_98 : memref<32x128xf32, #tpu.memory_space<vmem_shared>>) target_semaphore(%run_scoped3A_95 : memref<!tpu.dma_semaphore, #tpu.memory_space<semaphore_mem>>)
      %dma_wait3A = arith.constant 0 : i32
      %dma_wait3A_99 = tpu.memref_slice %arg17[%add3A_35, %dma_wait3A] : memref<10240x128xf32, #tpu.memory_space<vmem_shared>> -> memref<32x128xf32, #tpu.memory_space<vmem_shared>>
      %dma_wait3A_100 = arith.constant 0 : i32
      %dma_wait3A_101 = tpu.memref_slice %arg17[%add3A_35, %dma_wait3A_100] : memref<10240x128xf32, #tpu.memory_space<vmem_shared>> -> memref<32x128xf32, #tpu.memory_space<vmem_shared>>
      tpu.wait_dma2 semaphore(%run_scoped3A_95 : memref<!tpu.dma_semaphore, #tpu.memory_space<semaphore_mem>>) src(%arg16 : memref<32x128xf32, #tpu.memory_space<vmem>>) dst(%dma_wait3A_101 : memref<32x128xf32, #tpu.memory_space<vmem_shared>>)
      tpu.yield
    }) : () -> ()
    %mul3A_36 = arith.constant 640 : i32
    %mul3A_37 = arith.muli %arg1, %mul3A_36 : i32
    %add3A_38 = arith.constant 256 : i32
    %add3A_39 = arith.addi %mul3A_37, %add3A_38 : i32
    "tpu.region"() ({
      %run_scoped3A_95 = tpu.sem_alloc : memref<!tpu.dma_semaphore, #tpu.memory_space<semaphore_mem>>
      %dma_start3A = arith.constant 0 : i32
      %dma_start3A_96 = tpu.memref_slice %arg17[%add3A_39, %dma_start3A] : memref<10240x128xf32, #tpu.memory_space<vmem_shared>> -> memref<32x128xf32, #tpu.memory_space<vmem_shared>>
      %dma_start3A_97 = arith.constant 0 : i32
      %dma_start3A_98 = tpu.memref_slice %arg17[%add3A_39, %dma_start3A_97] : memref<10240x128xf32, #tpu.memory_space<vmem_shared>> -> memref<32x128xf32, #tpu.memory_space<vmem_shared>>
      tpu.enqueue_dma source(%arg16 : memref<32x128xf32, #tpu.memory_space<vmem>>) target(%dma_start3A_98 : memref<32x128xf32, #tpu.memory_space<vmem_shared>>) target_semaphore(%run_scoped3A_95 : memref<!tpu.dma_semaphore, #tpu.memory_space<semaphore_mem>>)
      %dma_wait3A = arith.constant 0 : i32
      %dma_wait3A_99 = tpu.memref_slice %arg17[%add3A_39, %dma_wait3A] : memref<10240x128xf32, #tpu.memory_space<vmem_shared>> -> memref<32x128xf32, #tpu.memory_space<vmem_shared>>
      %dma_wait3A_100 = arith.constant 0 : i32
      %dma_wait3A_101 = tpu.memref_slice %arg17[%add3A_39, %dma_wait3A_100] : memref<10240x128xf32, #tpu.memory_space<vmem_shared>> -> memref<32x128xf32, #tpu.memory_space<vmem_shared>>
      tpu.wait_dma2 semaphore(%run_scoped3A_95 : memref<!tpu.dma_semaphore, #tpu.memory_space<semaphore_mem>>) src(%arg16 : memref<32x128xf32, #tpu.memory_space<vmem>>) dst(%dma_wait3A_101 : memref<32x128xf32, #tpu.memory_space<vmem_shared>>)
      tpu.yield
    }) : () -> ()
    %mul3A_40 = arith.constant 640 : i32
    %mul3A_41 = arith.muli %arg1, %mul3A_40 : i32
    %add3A_42 = arith.constant 288 : i32
    %add3A_43 = arith.addi %mul3A_41, %add3A_42 : i32
    "tpu.region"() ({
      %run_scoped3A_95 = tpu.sem_alloc : memref<!tpu.dma_semaphore, #tpu.memory_space<semaphore_mem>>
      %dma_start3A = arith.constant 0 : i32
      %dma_start3A_96 = tpu.memref_slice %arg17[%add3A_43, %dma_start3A] : memref<10240x128xf32, #tpu.memory_space<vmem_shared>> -> memref<32x128xf32, #tpu.memory_space<vmem_shared>>
      %dma_start3A_97 = arith.constant 0 : i32
      %dma_start3A_98 = tpu.memref_slice %arg17[%add3A_43, %dma_start3A_97] : memref<10240x128xf32, #tpu.memory_space<vmem_shared>> -> memref<32x128xf32, #tpu.memory_space<vmem_shared>>
      tpu.enqueue_dma source(%arg16 : memref<32x128xf32, #tpu.memory_space<vmem>>) target(%dma_start3A_98 : memref<32x128xf32, #tpu.memory_space<vmem_shared>>) target_semaphore(%run_scoped3A_95 : memref<!tpu.dma_semaphore, #tpu.memory_space<semaphore_mem>>)
      %dma_wait3A = arith.constant 0 : i32
      %dma_wait3A_99 = tpu.memref_slice %arg17[%add3A_43, %dma_wait3A] : memref<10240x128xf32, #tpu.memory_space<vmem_shared>> -> memref<32x128xf32, #tpu.memory_space<vmem_shared>>
      %dma_wait3A_100 = arith.constant 0 : i32
      %dma_wait3A_101 = tpu.memref_slice %arg17[%add3A_43, %dma_wait3A_100] : memref<10240x128xf32, #tpu.memory_space<vmem_shared>> -> memref<32x128xf32, #tpu.memory_space<vmem_shared>>
      tpu.wait_dma2 semaphore(%run_scoped3A_95 : memref<!tpu.dma_semaphore, #tpu.memory_space<semaphore_mem>>) src(%arg16 : memref<32x128xf32, #tpu.memory_space<vmem>>) dst(%dma_wait3A_101 : memref<32x128xf32, #tpu.memory_space<vmem_shared>>)
      tpu.yield
    }) : () -> ()
    %mul3A_44 = arith.constant 640 : i32
    %mul3A_45 = arith.muli %arg1, %mul3A_44 : i32
    %add3A_46 = arith.constant 320 : i32
    %add3A_47 = arith.addi %mul3A_45, %add3A_46 : i32
    "tpu.region"() ({
      %run_scoped3A_95 = tpu.sem_alloc : memref<!tpu.dma_semaphore, #tpu.memory_space<semaphore_mem>>
      %dma_start3A = arith.constant 0 : i32
      %dma_start3A_96 = tpu.memref_slice %arg17[%add3A_47, %dma_start3A] : memref<10240x128xf32, #tpu.memory_space<vmem_shared>> -> memref<32x128xf32, #tpu.memory_space<vmem_shared>>
      %dma_start3A_97 = arith.constant 0 : i32
      %dma_start3A_98 = tpu.memref_slice %arg17[%add3A_47, %dma_start3A_97] : memref<10240x128xf32, #tpu.memory_space<vmem_shared>> -> memref<32x128xf32, #tpu.memory_space<vmem_shared>>
      tpu.enqueue_dma source(%arg16 : memref<32x128xf32, #tpu.memory_space<vmem>>) target(%dma_start3A_98 : memref<32x128xf32, #tpu.memory_space<vmem_shared>>) target_semaphore(%run_scoped3A_95 : memref<!tpu.dma_semaphore, #tpu.memory_space<semaphore_mem>>)
      %dma_wait3A = arith.constant 0 : i32
      %dma_wait3A_99 = tpu.memref_slice %arg17[%add3A_47, %dma_wait3A] : memref<10240x128xf32, #tpu.memory_space<vmem_shared>> -> memref<32x128xf32, #tpu.memory_space<vmem_shared>>
      %dma_wait3A_100 = arith.constant 0 : i32
      %dma_wait3A_101 = tpu.memref_slice %arg17[%add3A_47, %dma_wait3A_100] : memref<10240x128xf32, #tpu.memory_space<vmem_shared>> -> memref<32x128xf32, #tpu.memory_space<vmem_shared>>
      tpu.wait_dma2 semaphore(%run_scoped3A_95 : memref<!tpu.dma_semaphore, #tpu.memory_space<semaphore_mem>>) src(%arg16 : memref<32x128xf32, #tpu.memory_space<vmem>>) dst(%dma_wait3A_101 : memref<32x128xf32, #tpu.memory_space<vmem_shared>>)
      tpu.yield
    }) : () -> ()
    %mul3A_48 = arith.constant 640 : i32
    %mul3A_49 = arith.muli %arg1, %mul3A_48 : i32
    %add3A_50 = arith.constant 352 : i32
    %add3A_51 = arith.addi %mul3A_49, %add3A_50 : i32
    "tpu.region"() ({
      %run_scoped3A_95 = tpu.sem_alloc : memref<!tpu.dma_semaphore, #tpu.memory_space<semaphore_mem>>
      %dma_start3A = arith.constant 0 : i32
      %dma_start3A_96 = tpu.memref_slice %arg17[%add3A_51, %dma_start3A] : memref<10240x128xf32, #tpu.memory_space<vmem_shared>> -> memref<32x128xf32, #tpu.memory_space<vmem_shared>>
      %dma_start3A_97 = arith.constant 0 : i32
      %dma_start3A_98 = tpu.memref_slice %arg17[%add3A_51, %dma_start3A_97] : memref<10240x128xf32, #tpu.memory_space<vmem_shared>> -> memref<32x128xf32, #tpu.memory_space<vmem_shared>>
      tpu.enqueue_dma source(%arg16 : memref<32x128xf32, #tpu.memory_space<vmem>>) target(%dma_start3A_98 : memref<32x128xf32, #tpu.memory_space<vmem_shared>>) target_semaphore(%run_scoped3A_95 : memref<!tpu.dma_semaphore, #tpu.memory_space<semaphore_mem>>)
      %dma_wait3A = arith.constant 0 : i32
      %dma_wait3A_99 = tpu.memref_slice %arg17[%add3A_51, %dma_wait3A] : memref<10240x128xf32, #tpu.memory_space<vmem_shared>> -> memref<32x128xf32, #tpu.memory_space<vmem_shared>>
      %dma_wait3A_100 = arith.constant 0 : i32
      %dma_wait3A_101 = tpu.memref_slice %arg17[%add3A_51, %dma_wait3A_100] : memref<10240x128xf32, #tpu.memory_space<vmem_shared>> -> memref<32x128xf32, #tpu.memory_space<vmem_shared>>
      tpu.wait_dma2 semaphore(%run_scoped3A_95 : memref<!tpu.dma_semaphore, #tpu.memory_space<semaphore_mem>>) src(%arg16 : memref<32x128xf32, #tpu.memory_space<vmem>>) dst(%dma_wait3A_101 : memref<32x128xf32, #tpu.memory_space<vmem_shared>>)
      tpu.yield
    }) : () -> ()
    %mul3A_52 = arith.constant 640 : i32
    %mul3A_53 = arith.muli %arg1, %mul3A_52 : i32
    %add3A_54 = arith.constant 384 : i32
    %add3A_55 = arith.addi %mul3A_53, %add3A_54 : i32
    "tpu.region"() ({
      %run_scoped3A_95 = tpu.sem_alloc : memref<!tpu.dma_semaphore, #tpu.memory_space<semaphore_mem>>
      %dma_start3A = arith.constant 0 : i32
      %dma_start3A_96 = tpu.memref_slice %arg17[%add3A_55, %dma_start3A] : memref<10240x128xf32, #tpu.memory_space<vmem_shared>> -> memref<32x128xf32, #tpu.memory_space<vmem_shared>>
      %dma_start3A_97 = arith.constant 0 : i32
      %dma_start3A_98 = tpu.memref_slice %arg17[%add3A_55, %dma_start3A_97] : memref<10240x128xf32, #tpu.memory_space<vmem_shared>> -> memref<32x128xf32, #tpu.memory_space<vmem_shared>>
      tpu.enqueue_dma source(%arg16 : memref<32x128xf32, #tpu.memory_space<vmem>>) target(%dma_start3A_98 : memref<32x128xf32, #tpu.memory_space<vmem_shared>>) target_semaphore(%run_scoped3A_95 : memref<!tpu.dma_semaphore, #tpu.memory_space<semaphore_mem>>)
      %dma_wait3A = arith.constant 0 : i32
      %dma_wait3A_99 = tpu.memref_slice %arg17[%add3A_55, %dma_wait3A] : memref<10240x128xf32, #tpu.memory_space<vmem_shared>> -> memref<32x128xf32, #tpu.memory_space<vmem_shared>>
      %dma_wait3A_100 = arith.constant 0 : i32
      %dma_wait3A_101 = tpu.memref_slice %arg17[%add3A_55, %dma_wait3A_100] : memref<10240x128xf32, #tpu.memory_space<vmem_shared>> -> memref<32x128xf32, #tpu.memory_space<vmem_shared>>
      tpu.wait_dma2 semaphore(%run_scoped3A_95 : memref<!tpu.dma_semaphore, #tpu.memory_space<semaphore_mem>>) src(%arg16 : memref<32x128xf32, #tpu.memory_space<vmem>>) dst(%dma_wait3A_101 : memref<32x128xf32, #tpu.memory_space<vmem_shared>>)
      tpu.yield
    }) : () -> ()
    %mul3A_56 = arith.constant 640 : i32
    %mul3A_57 = arith.muli %arg1, %mul3A_56 : i32
    %add3A_58 = arith.constant 416 : i32
    %add3A_59 = arith.addi %mul3A_57, %add3A_58 : i32
    "tpu.region"() ({
      %run_scoped3A_95 = tpu.sem_alloc : memref<!tpu.dma_semaphore, #tpu.memory_space<semaphore_mem>>
      %dma_start3A = arith.constant 0 : i32
      %dma_start3A_96 = tpu.memref_slice %arg17[%add3A_59, %dma_start3A] : memref<10240x128xf32, #tpu.memory_space<vmem_shared>> -> memref<32x128xf32, #tpu.memory_space<vmem_shared>>
      %dma_start3A_97 = arith.constant 0 : i32
      %dma_start3A_98 = tpu.memref_slice %arg17[%add3A_59, %dma_start3A_97] : memref<10240x128xf32, #tpu.memory_space<vmem_shared>> -> memref<32x128xf32, #tpu.memory_space<vmem_shared>>
      tpu.enqueue_dma source(%arg16 : memref<32x128xf32, #tpu.memory_space<vmem>>) target(%dma_start3A_98 : memref<32x128xf32, #tpu.memory_space<vmem_shared>>) target_semaphore(%run_scoped3A_95 : memref<!tpu.dma_semaphore, #tpu.memory_space<semaphore_mem>>)
      %dma_wait3A = arith.constant 0 : i32
      %dma_wait3A_99 = tpu.memref_slice %arg17[%add3A_59, %dma_wait3A] : memref<10240x128xf32, #tpu.memory_space<vmem_shared>> -> memref<32x128xf32, #tpu.memory_space<vmem_shared>>
      %dma_wait3A_100 = arith.constant 0 : i32
      %dma_wait3A_101 = tpu.memref_slice %arg17[%add3A_59, %dma_wait3A_100] : memref<10240x128xf32, #tpu.memory_space<vmem_shared>> -> memref<32x128xf32, #tpu.memory_space<vmem_shared>>
      tpu.wait_dma2 semaphore(%run_scoped3A_95 : memref<!tpu.dma_semaphore, #tpu.memory_space<semaphore_mem>>) src(%arg16 : memref<32x128xf32, #tpu.memory_space<vmem>>) dst(%dma_wait3A_101 : memref<32x128xf32, #tpu.memory_space<vmem_shared>>)
      tpu.yield
    }) : () -> ()
    %mul3A_60 = arith.constant 640 : i32
    %mul3A_61 = arith.muli %arg1, %mul3A_60 : i32
    %add3A_62 = arith.constant 448 : i32
    %add3A_63 = arith.addi %mul3A_61, %add3A_62 : i32
    "tpu.region"() ({
      %run_scoped3A_95 = tpu.sem_alloc : memref<!tpu.dma_semaphore, #tpu.memory_space<semaphore_mem>>
      %dma_start3A = arith.constant 0 : i32
      %dma_start3A_96 = tpu.memref_slice %arg17[%add3A_63, %dma_start3A] : memref<10240x128xf32, #tpu.memory_space<vmem_shared>> -> memref<32x128xf32, #tpu.memory_space<vmem_shared>>
      %dma_start3A_97 = arith.constant 0 : i32
      %dma_start3A_98 = tpu.memref_slice %arg17[%add3A_63, %dma_start3A_97] : memref<10240x128xf32, #tpu.memory_space<vmem_shared>> -> memref<32x128xf32, #tpu.memory_space<vmem_shared>>
      tpu.enqueue_dma source(%arg16 : memref<32x128xf32, #tpu.memory_space<vmem>>) target(%dma_start3A_98 : memref<32x128xf32, #tpu.memory_space<vmem_shared>>) target_semaphore(%run_scoped3A_95 : memref<!tpu.dma_semaphore, #tpu.memory_space<semaphore_mem>>)
      %dma_wait3A = arith.constant 0 : i32
      %dma_wait3A_99 = tpu.memref_slice %arg17[%add3A_63, %dma_wait3A] : memref<10240x128xf32, #tpu.memory_space<vmem_shared>> -> memref<32x128xf32, #tpu.memory_space<vmem_shared>>
      %dma_wait3A_100 = arith.constant 0 : i32
      %dma_wait3A_101 = tpu.memref_slice %arg17[%add3A_63, %dma_wait3A_100] : memref<10240x128xf32, #tpu.memory_space<vmem_shared>> -> memref<32x128xf32, #tpu.memory_space<vmem_shared>>
      tpu.wait_dma2 semaphore(%run_scoped3A_95 : memref<!tpu.dma_semaphore, #tpu.memory_space<semaphore_mem>>) src(%arg16 : memref<32x128xf32, #tpu.memory_space<vmem>>) dst(%dma_wait3A_101 : memref<32x128xf32, #tpu.memory_space<vmem_shared>>)
      tpu.yield
    }) : () -> ()
    %mul3A_64 = arith.constant 640 : i32
    %mul3A_65 = arith.muli %arg1, %mul3A_64 : i32
    %add3A_66 = arith.constant 480 : i32
    %add3A_67 = arith.addi %mul3A_65, %add3A_66 : i32
    "tpu.region"() ({
      %run_scoped3A_95 = tpu.sem_alloc : memref<!tpu.dma_semaphore, #tpu.memory_space<semaphore_mem>>
      %dma_start3A = arith.constant 0 : i32
      %dma_start3A_96 = tpu.memref_slice %arg17[%add3A_67, %dma_start3A] : memref<10240x128xf32, #tpu.memory_space<vmem_shared>> -> memref<32x128xf32, #tpu.memory_space<vmem_shared>>
      %dma_start3A_97 = arith.constant 0 : i32
      %dma_start3A_98 = tpu.memref_slice %arg17[%add3A_67, %dma_start3A_97] : memref<10240x128xf32, #tpu.memory_space<vmem_shared>> -> memref<32x128xf32, #tpu.memory_space<vmem_shared>>
      tpu.enqueue_dma source(%arg16 : memref<32x128xf32, #tpu.memory_space<vmem>>) target(%dma_start3A_98 : memref<32x128xf32, #tpu.memory_space<vmem_shared>>) target_semaphore(%run_scoped3A_95 : memref<!tpu.dma_semaphore, #tpu.memory_space<semaphore_mem>>)
      %dma_wait3A = arith.constant 0 : i32
      %dma_wait3A_99 = tpu.memref_slice %arg17[%add3A_67, %dma_wait3A] : memref<10240x128xf32, #tpu.memory_space<vmem_shared>> -> memref<32x128xf32, #tpu.memory_space<vmem_shared>>
      %dma_wait3A_100 = arith.constant 0 : i32
      %dma_wait3A_101 = tpu.memref_slice %arg17[%add3A_67, %dma_wait3A_100] : memref<10240x128xf32, #tpu.memory_space<vmem_shared>> -> memref<32x128xf32, #tpu.memory_space<vmem_shared>>
      tpu.wait_dma2 semaphore(%run_scoped3A_95 : memref<!tpu.dma_semaphore, #tpu.memory_space<semaphore_mem>>) src(%arg16 : memref<32x128xf32, #tpu.memory_space<vmem>>) dst(%dma_wait3A_101 : memref<32x128xf32, #tpu.memory_space<vmem_shared>>)
      tpu.yield
    }) : () -> ()
    %mul3A_68 = arith.constant 640 : i32
    %mul3A_69 = arith.muli %arg1, %mul3A_68 : i32
    %add3A_70 = arith.constant 512 : i32
    %add3A_71 = arith.addi %mul3A_69, %add3A_70 : i32
    "tpu.region"() ({
      %run_scoped3A_95 = tpu.sem_alloc : memref<!tpu.dma_semaphore, #tpu.memory_space<semaphore_mem>>
      %dma_start3A = arith.constant 0 : i32
      %dma_start3A_96 = tpu.memref_slice %arg17[%add3A_71, %dma_start3A] : memref<10240x128xf32, #tpu.memory_space<vmem_shared>> -> memref<32x128xf32, #tpu.memory_space<vmem_shared>>
      %dma_start3A_97 = arith.constant 0 : i32
      %dma_start3A_98 = tpu.memref_slice %arg17[%add3A_71, %dma_start3A_97] : memref<10240x128xf32, #tpu.memory_space<vmem_shared>> -> memref<32x128xf32, #tpu.memory_space<vmem_shared>>
      tpu.enqueue_dma source(%arg16 : memref<32x128xf32, #tpu.memory_space<vmem>>) target(%dma_start3A_98 : memref<32x128xf32, #tpu.memory_space<vmem_shared>>) target_semaphore(%run_scoped3A_95 : memref<!tpu.dma_semaphore, #tpu.memory_space<semaphore_mem>>)
      %dma_wait3A = arith.constant 0 : i32
      %dma_wait3A_99 = tpu.memref_slice %arg17[%add3A_71, %dma_wait3A] : memref<10240x128xf32, #tpu.memory_space<vmem_shared>> -> memref<32x128xf32, #tpu.memory_space<vmem_shared>>
      %dma_wait3A_100 = arith.constant 0 : i32
      %dma_wait3A_101 = tpu.memref_slice %arg17[%add3A_71, %dma_wait3A_100] : memref<10240x128xf32, #tpu.memory_space<vmem_shared>> -> memref<32x128xf32, #tpu.memory_space<vmem_shared>>
      tpu.wait_dma2 semaphore(%run_scoped3A_95 : memref<!tpu.dma_semaphore, #tpu.memory_space<semaphore_mem>>) src(%arg16 : memref<32x128xf32, #tpu.memory_space<vmem>>) dst(%dma_wait3A_101 : memref<32x128xf32, #tpu.memory_space<vmem_shared>>)
      tpu.yield
    }) : () -> ()
    %mul3A_72 = arith.constant 640 : i32
    %mul3A_73 = arith.muli %arg1, %mul3A_72 : i32
    %add3A_74 = arith.constant 544 : i32
    %add3A_75 = arith.addi %mul3A_73, %add3A_74 : i32
    "tpu.region"() ({
      %run_scoped3A_95 = tpu.sem_alloc : memref<!tpu.dma_semaphore, #tpu.memory_space<semaphore_mem>>
      %dma_start3A = arith.constant 0 : i32
      %dma_start3A_96 = tpu.memref_slice %arg17[%add3A_75, %dma_start3A] : memref<10240x128xf32, #tpu.memory_space<vmem_shared>> -> memref<32x128xf32, #tpu.memory_space<vmem_shared>>
      %dma_start3A_97 = arith.constant 0 : i32
      %dma_start3A_98 = tpu.memref_slice %arg17[%add3A_75, %dma_start3A_97] : memref<10240x128xf32, #tpu.memory_space<vmem_shared>> -> memref<32x128xf32, #tpu.memory_space<vmem_shared>>
      tpu.enqueue_dma source(%arg16 : memref<32x128xf32, #tpu.memory_space<vmem>>) target(%dma_start3A_98 : memref<32x128xf32, #tpu.memory_space<vmem_shared>>) target_semaphore(%run_scoped3A_95 : memref<!tpu.dma_semaphore, #tpu.memory_space<semaphore_mem>>)
      %dma_wait3A = arith.constant 0 : i32
      %dma_wait3A_99 = tpu.memref_slice %arg17[%add3A_75, %dma_wait3A] : memref<10240x128xf32, #tpu.memory_space<vmem_shared>> -> memref<32x128xf32, #tpu.memory_space<vmem_shared>>
      %dma_wait3A_100 = arith.constant 0 : i32
      %dma_wait3A_101 = tpu.memref_slice %arg17[%add3A_75, %dma_wait3A_100] : memref<10240x128xf32, #tpu.memory_space<vmem_shared>> -> memref<32x128xf32, #tpu.memory_space<vmem_shared>>
      tpu.wait_dma2 semaphore(%run_scoped3A_95 : memref<!tpu.dma_semaphore, #tpu.memory_space<semaphore_mem>>) src(%arg16 : memref<32x128xf32, #tpu.memory_space<vmem>>) dst(%dma_wait3A_101 : memref<32x128xf32, #tpu.memory_space<vmem_shared>>)
      tpu.yield
    }) : () -> ()
    %mul3A_76 = arith.constant 640 : i32
    %mul3A_77 = arith.muli %arg1, %mul3A_76 : i32
    %add3A_78 = arith.constant 576 : i32
    %add3A_79 = arith.addi %mul3A_77, %add3A_78 : i32
    "tpu.region"() ({
      %run_scoped3A_95 = tpu.sem_alloc : memref<!tpu.dma_semaphore, #tpu.memory_space<semaphore_mem>>
      %dma_start3A = arith.constant 0 : i32
      %dma_start3A_96 = tpu.memref_slice %arg17[%add3A_79, %dma_start3A] : memref<10240x128xf32, #tpu.memory_space<vmem_shared>> -> memref<32x128xf32, #tpu.memory_space<vmem_shared>>
      %dma_start3A_97 = arith.constant 0 : i32
      %dma_start3A_98 = tpu.memref_slice %arg17[%add3A_79, %dma_start3A_97] : memref<10240x128xf32, #tpu.memory_space<vmem_shared>> -> memref<32x128xf32, #tpu.memory_space<vmem_shared>>
      tpu.enqueue_dma source(%arg16 : memref<32x128xf32, #tpu.memory_space<vmem>>) target(%dma_start3A_98 : memref<32x128xf32, #tpu.memory_space<vmem_shared>>) target_semaphore(%run_scoped3A_95 : memref<!tpu.dma_semaphore, #tpu.memory_space<semaphore_mem>>)
      %dma_wait3A = arith.constant 0 : i32
      %dma_wait3A_99 = tpu.memref_slice %arg17[%add3A_79, %dma_wait3A] : memref<10240x128xf32, #tpu.memory_space<vmem_shared>> -> memref<32x128xf32, #tpu.memory_space<vmem_shared>>
      %dma_wait3A_100 = arith.constant 0 : i32
      %dma_wait3A_101 = tpu.memref_slice %arg17[%add3A_79, %dma_wait3A_100] : memref<10240x128xf32, #tpu.memory_space<vmem_shared>> -> memref<32x128xf32, #tpu.memory_space<vmem_shared>>
      tpu.wait_dma2 semaphore(%run_scoped3A_95 : memref<!tpu.dma_semaphore, #tpu.memory_space<semaphore_mem>>) src(%arg16 : memref<32x128xf32, #tpu.memory_space<vmem>>) dst(%dma_wait3A_101 : memref<32x128xf32, #tpu.memory_space<vmem_shared>>)
      tpu.yield
    }) : () -> ()
    %mul3A_80 = arith.constant 640 : i32
    %mul3A_81 = arith.muli %arg1, %mul3A_80 : i32
    %add3A_82 = arith.constant 608 : i32
    %add3A_83 = arith.addi %mul3A_81, %add3A_82 : i32
    "tpu.region"() ({
      %run_scoped3A_95 = tpu.sem_alloc : memref<!tpu.dma_semaphore, #tpu.memory_space<semaphore_mem>>
      %dma_start3A = arith.constant 0 : i32
      %dma_start3A_96 = tpu.memref_slice %arg17[%add3A_83, %dma_start3A] : memref<10240x128xf32, #tpu.memory_space<vmem_shared>> -> memref<32x128xf32, #tpu.memory_space<vmem_shared>>
      %dma_start3A_97 = arith.constant 0 : i32
      %dma_start3A_98 = tpu.memref_slice %arg17[%add3A_83, %dma_start3A_97] : memref<10240x128xf32, #tpu.memory_space<vmem_shared>> -> memref<32x128xf32, #tpu.memory_space<vmem_shared>>
      tpu.enqueue_dma source(%arg16 : memref<32x128xf32, #tpu.memory_space<vmem>>) target(%dma_start3A_98 : memref<32x128xf32, #tpu.memory_space<vmem_shared>>) target_semaphore(%run_scoped3A_95 : memref<!tpu.dma_semaphore, #tpu.memory_space<semaphore_mem>>)
      %dma_wait3A = arith.constant 0 : i32
      %dma_wait3A_99 = tpu.memref_slice %arg17[%add3A_83, %dma_wait3A] : memref<10240x128xf32, #tpu.memory_space<vmem_shared>> -> memref<32x128xf32, #tpu.memory_space<vmem_shared>>
      %dma_wait3A_100 = arith.constant 0 : i32
      %dma_wait3A_101 = tpu.memref_slice %arg17[%add3A_83, %dma_wait3A_100] : memref<10240x128xf32, #tpu.memory_space<vmem_shared>> -> memref<32x128xf32, #tpu.memory_space<vmem_shared>>
      tpu.wait_dma2 semaphore(%run_scoped3A_95 : memref<!tpu.dma_semaphore, #tpu.memory_space<semaphore_mem>>) src(%arg16 : memref<32x128xf32, #tpu.memory_space<vmem>>) dst(%dma_wait3A_101 : memref<32x128xf32, #tpu.memory_space<vmem_shared>>)
      tpu.yield
    }) : () -> ()
    %barrier3A = arith.constant 0 : index
    tpu.barrier barrier_id(%barrier3A)
    %scan3A_84 = arith.constant 0 : i32
    %scan3A_85 = arith.constant 0 : i32
    %scan3A_86 = arith.constant 10 : i32
    %scan3A_87 = arith.addi %scan3A_85, %scan3A_86 : i32
    %scan3A_88 = arith.constant 1 : i32
    scf.for %scan3A_95 = %scan3A_85 to %scan3A_87 step %scan3A_88  : i32 {
      "tpu.region"() ({
        %run_scoped3A_108 = tpu.sem_alloc : memref<!tpu.dma_semaphore, #tpu.memory_space<semaphore_mem>>
        %dma_start3A = arith.constant 0 : i32
        %dma_start3A_109 = tpu.memref_slice %arg4[%arg1, %scan3A_95, %dma_start3A] : memref<16x10x2000xi32, #tpu.memory_space<hbm>> -> memref<1x1x2000xi32, #tpu.memory_space<hbm>>
        %dma_start3A_110 = tpu.memref_squeeze %dma_start3A_109 : memref<1x1x2000xi32, #tpu.memory_space<hbm>> -> memref<2000xi32, #tpu.memory_space<hbm>>
        %dma_start3A_111 = arith.constant 0 : i32
        %dma_start3A_112 = tpu.memref_slice %arg4[%arg1, %scan3A_95, %dma_start3A_111] : memref<16x10x2000xi32, #tpu.memory_space<hbm>> -> memref<1x1x2000xi32, #tpu.memory_space<hbm>>
        %dma_start3A_113 = tpu.memref_squeeze %dma_start3A_112 : memref<1x1x2000xi32, #tpu.memory_space<hbm>> -> memref<2000xi32, #tpu.memory_space<hbm>>
        tpu.enqueue_dma source(%dma_start3A_113 : memref<2000xi32, #tpu.memory_space<hbm>>) target(%arg10 : memref<2000xi32, #tpu.memory_space<vmem>>) target_semaphore(%run_scoped3A_108 : memref<!tpu.dma_semaphore, #tpu.memory_space<semaphore_mem>>)
        %dma_wait3A = arith.constant 0 : i32
        %dma_wait3A_114 = tpu.memref_slice %arg4[%arg1, %scan3A_95, %dma_wait3A] : memref<16x10x2000xi32, #tpu.memory_space<hbm>> -> memref<1x1x2000xi32, #tpu.memory_space<hbm>>
        %dma_wait3A_115 = tpu.memref_squeeze %dma_wait3A_114 : memref<1x1x2000xi32, #tpu.memory_space<hbm>> -> memref<2000xi32, #tpu.memory_space<hbm>>
        %dma_wait3A_116 = arith.constant 0 : i32
        %dma_wait3A_117 = tpu.memref_slice %arg4[%arg1, %scan3A_95, %dma_wait3A_116] : memref<16x10x2000xi32, #tpu.memory_space<hbm>> -> memref<1x1x2000xi32, #tpu.memory_space<hbm>>
        %dma_wait3A_118 = tpu.memref_squeeze %dma_wait3A_117 : memref<1x1x2000xi32, #tpu.memory_space<hbm>> -> memref<2000xi32, #tpu.memory_space<hbm>>
        tpu.wait_dma2 semaphore(%run_scoped3A_108 : memref<!tpu.dma_semaphore, #tpu.memory_space<semaphore_mem>>) src(%dma_wait3A_118 : memref<2000xi32, #tpu.memory_space<hbm>>) dst(%arg10 : memref<2000xi32, #tpu.memory_space<vmem>>)
        tpu.yield
      }) : () -> ()
      "tpu.region"() ({
        %run_scoped3A_108 = tpu.sem_alloc : memref<!tpu.dma_semaphore, #tpu.memory_space<semaphore_mem>>
        %dma_start3A = arith.constant 0 : i32
        %dma_start3A_109 = tpu.memref_slice %arg5[%arg1, %scan3A_95, %dma_start3A] : memref<16x10x2000xi32, #tpu.memory_space<hbm>> -> memref<1x1x2000xi32, #tpu.memory_space<hbm>>
        %dma_start3A_110 = tpu.memref_squeeze %dma_start3A_109 : memref<1x1x2000xi32, #tpu.memory_space<hbm>> -> memref<2000xi32, #tpu.memory_space<hbm>>
        %dma_start3A_111 = arith.constant 0 : i32
        %dma_start3A_112 = tpu.memref_slice %arg5[%arg1, %scan3A_95, %dma_start3A_111] : memref<16x10x2000xi32, #tpu.memory_space<hbm>> -> memref<1x1x2000xi32, #tpu.memory_space<hbm>>
        %dma_start3A_113 = tpu.memref_squeeze %dma_start3A_112 : memref<1x1x2000xi32, #tpu.memory_space<hbm>> -> memref<2000xi32, #tpu.memory_space<hbm>>
        tpu.enqueue_dma source(%dma_start3A_113 : memref<2000xi32, #tpu.memory_space<hbm>>) target(%arg11 : memref<2000xi32, #tpu.memory_space<vmem>>) target_semaphore(%run_scoped3A_108 : memref<!tpu.dma_semaphore, #tpu.memory_space<semaphore_mem>>)
        %dma_wait3A = arith.constant 0 : i32
        %dma_wait3A_114 = tpu.memref_slice %arg5[%arg1, %scan3A_95, %dma_wait3A] : memref<16x10x2000xi32, #tpu.memory_space<hbm>> -> memref<1x1x2000xi32, #tpu.memory_space<hbm>>
        %dma_wait3A_115 = tpu.memref_squeeze %dma_wait3A_114 : memref<1x1x2000xi32, #tpu.memory_space<hbm>> -> memref<2000xi32, #tpu.memory_space<hbm>>
        %dma_wait3A_116 = arith.constant 0 : i32
        %dma_wait3A_117 = tpu.memref_slice %arg5[%arg1, %scan3A_95, %dma_wait3A_116] : memref<16x10x2000xi32, #tpu.memory_space<hbm>> -> memref<1x1x2000xi32, #tpu.memory_space<hbm>>
        %dma_wait3A_118 = tpu.memref_squeeze %dma_wait3A_117 : memref<1x1x2000xi32, #tpu.memory_space<hbm>> -> memref<2000xi32, #tpu.memory_space<hbm>>
        tpu.wait_dma2 semaphore(%run_scoped3A_108 : memref<!tpu.dma_semaphore, #tpu.memory_space<semaphore_mem>>) src(%dma_wait3A_118 : memref<2000xi32, #tpu.memory_space<hbm>>) dst(%arg11 : memref<2000xi32, #tpu.memory_space<vmem>>)
        tpu.yield
      }) : () -> ()
      "tpu.region"() ({
        %run_scoped3A_108 = tpu.sem_alloc : memref<!tpu.dma_semaphore, #tpu.memory_space<semaphore_mem>>
        %dma_start3A = arith.constant 0 : i32
        %dma_start3A_109 = arith.constant 0 : i32
        %dma_start3A_110 = tpu.memref_slice %arg6[%arg1, %scan3A_95, %dma_start3A, %dma_start3A_109] : memref<16x10x25x80xi32, #tpu.memory_space<hbm>> -> memref<1x1x25x80xi32, #tpu.memory_space<hbm>>
        %dma_start3A_111 = tpu.memref_squeeze %dma_start3A_110 : memref<1x1x25x80xi32, #tpu.memory_space<hbm>> -> memref<25x80xi32, #tpu.memory_space<hbm>>
        %dma_start3A_112 = arith.constant 0 : i32
        %dma_start3A_113 = arith.constant 0 : i32
        %dma_start3A_114 = tpu.memref_slice %arg6[%arg1, %scan3A_95, %dma_start3A_112, %dma_start3A_113] : memref<16x10x25x80xi32, #tpu.memory_space<hbm>> -> memref<1x1x25x80xi32, #tpu.memory_space<hbm>>
        %dma_start3A_115 = tpu.memref_squeeze %dma_start3A_114 : memref<1x1x25x80xi32, #tpu.memory_space<hbm>> -> memref<25x80xi32, #tpu.memory_space<hbm>>
        tpu.enqueue_dma source(%dma_start3A_115 : memref<25x80xi32, #tpu.memory_space<hbm>>) target(%arg13 : memref<25x80xi32, #tpu.memory_space<vmem>>) target_semaphore(%run_scoped3A_108 : memref<!tpu.dma_semaphore, #tpu.memory_space<semaphore_mem>>)
        %dma_wait3A = arith.constant 0 : i32
        %dma_wait3A_116 = arith.constant 0 : i32
        %dma_wait3A_117 = tpu.memref_slice %arg6[%arg1, %scan3A_95, %dma_wait3A, %dma_wait3A_116] : memref<16x10x25x80xi32, #tpu.memory_space<hbm>> -> memref<1x1x25x80xi32, #tpu.memory_space<hbm>>
        %dma_wait3A_118 = tpu.memref_squeeze %dma_wait3A_117 : memref<1x1x25x80xi32, #tpu.memory_space<hbm>> -> memref<25x80xi32, #tpu.memory_space<hbm>>
        %dma_wait3A_119 = arith.constant 0 : i32
        %dma_wait3A_120 = arith.constant 0 : i32
        %dma_wait3A_121 = tpu.memref_slice %arg6[%arg1, %scan3A_95, %dma_wait3A_119, %dma_wait3A_120] : memref<16x10x25x80xi32, #tpu.memory_space<hbm>> -> memref<1x1x25x80xi32, #tpu.memory_space<hbm>>
        %dma_wait3A_122 = tpu.memref_squeeze %dma_wait3A_121 : memref<1x1x25x80xi32, #tpu.memory_space<hbm>> -> memref<25x80xi32, #tpu.memory_space<hbm>>
        tpu.wait_dma2 semaphore(%run_scoped3A_108 : memref<!tpu.dma_semaphore, #tpu.memory_space<semaphore_mem>>) src(%dma_wait3A_122 : memref<25x80xi32, #tpu.memory_space<hbm>>) dst(%arg13 : memref<25x80xi32, #tpu.memory_space<vmem>>)
        tpu.yield
      }) : () -> ()
      "tpu.region"() ({
        %run_scoped3A_108 = tpu.sem_alloc : memref<!tpu.dma_semaphore, #tpu.memory_space<semaphore_mem>>
        %dma_start3A = arith.constant 0 : i32
        %dma_start3A_109 = tpu.memref_slice %arg7[%arg1, %scan3A_95, %dma_start3A] : memref<16x10x2000xf32, #tpu.memory_space<hbm>> -> memref<1x1x2000xf32, #tpu.memory_space<hbm>>
        %dma_start3A_110 = tpu.memref_squeeze %dma_start3A_109 : memref<1x1x2000xf32, #tpu.memory_space<hbm>> -> memref<2000xf32, #tpu.memory_space<hbm>>
        %dma_start3A_111 = arith.constant 0 : i32
        %dma_start3A_112 = tpu.memref_slice %arg7[%arg1, %scan3A_95, %dma_start3A_111] : memref<16x10x2000xf32, #tpu.memory_space<hbm>> -> memref<1x1x2000xf32, #tpu.memory_space<hbm>>
        %dma_start3A_113 = tpu.memref_squeeze %dma_start3A_112 : memref<1x1x2000xf32, #tpu.memory_space<hbm>> -> memref<2000xf32, #tpu.memory_space<hbm>>
        tpu.enqueue_dma source(%dma_start3A_113 : memref<2000xf32, #tpu.memory_space<hbm>>) target(%arg12 : memref<2000xf32, #tpu.memory_space<vmem>>) target_semaphore(%run_scoped3A_108 : memref<!tpu.dma_semaphore, #tpu.memory_space<semaphore_mem>>)
        %dma_wait3A = arith.constant 0 : i32
        %dma_wait3A_114 = tpu.memref_slice %arg7[%arg1, %scan3A_95, %dma_wait3A] : memref<16x10x2000xf32, #tpu.memory_space<hbm>> -> memref<1x1x2000xf32, #tpu.memory_space<hbm>>
        %dma_wait3A_115 = tpu.memref_squeeze %dma_wait3A_114 : memref<1x1x2000xf32, #tpu.memory_space<hbm>> -> memref<2000xf32, #tpu.memory_space<hbm>>
        %dma_wait3A_116 = arith.constant 0 : i32
        %dma_wait3A_117 = tpu.memref_slice %arg7[%arg1, %scan3A_95, %dma_wait3A_116] : memref<16x10x2000xf32, #tpu.memory_space<hbm>> -> memref<1x1x2000xf32, #tpu.memory_space<hbm>>
        %dma_wait3A_118 = tpu.memref_squeeze %dma_wait3A_117 : memref<1x1x2000xf32, #tpu.memory_space<hbm>> -> memref<2000xf32, #tpu.memory_space<hbm>>
        tpu.wait_dma2 semaphore(%run_scoped3A_108 : memref<!tpu.dma_semaphore, #tpu.memory_space<semaphore_mem>>) src(%dma_wait3A_118 : memref<2000xf32, #tpu.memory_space<hbm>>) dst(%arg12 : memref<2000xf32, #tpu.memory_space<vmem>>)
        tpu.yield
      }) : () -> ()
      %scan3A_96 = arith.constant 0 : i32
      %scan3A_97 = arith.constant 0 : i32
      %scan3A_98 = arith.constant 125 : i32
      %scan3A_99 = arith.addi %scan3A_97, %scan3A_98 : i32
      %scan3A_100 = arith.constant 1 : i32
      scf.for %scan3A_108 = %scan3A_97 to %scan3A_99 step %scan3A_100  : i32 {
        %mul3A_109 = arith.constant 16 : i32
        %mul3A_110 = arith.muli %scan3A_108, %mul3A_109 : i32
        %get3A = arith.index_cast %mul3A_110 : i32 to index
        %get3A_111 = tpu.vector_load %arg10[%get3A] {strides = array<i32>} : memref<2000xi32, #tpu.memory_space<vmem>>, vector<16xi32>,
        %gather3A = tpu.vector_load_idx %arg9[%get3A_111] : memref<10240xf32, #tpu.memory_space<vmem>>[vector<16xi32>], vector<16xf32>,
        %get3A_112 = arith.index_cast %mul3A_110 : i32 to index
        %get3A_113 = tpu.vector_load %arg11[%get3A_112] {strides = array<i32>} : memref<2000xi32, #tpu.memory_space<vmem>>, vector<16xi32>,
        %gather3A_114 = tpu.vector_load_idx %arg9[%get3A_113] : memref<10240xf32, #tpu.memory_space<vmem>>[vector<16xi32>], vector<16xf32>,
        %get3A_115 = arith.index_cast %mul3A_110 : i32 to index
        %get3A_116 = tpu.vector_load %arg12[%get3A_115] {strides = array<i32>} : memref<2000xf32, #tpu.memory_space<vmem>>, vector<16xf32>,
        %mul3A_117 = arith.mulf %gather3A, %get3A_116 : vector<16xf32>
        %mul3A_118 = arith.mulf %mul3A_117, %gather3A_114 : vector<16xf32>
        %swap3A = arith.index_cast %mul3A_110 : i32 to index
        %swap3A_119 = tpu.vector_load %arg14[%swap3A] {strides = array<i32>} : memref<2000xf32, #tpu.memory_space<vmem>>, vector<16xf32>,
        tpu.vector_store %arg14[%swap3A], %mul3A_118 {strides = array<i32>} : memref<2000xf32, #tpu.memory_space<vmem>>, vector<16xf32>,
      }
      %scan3A_101 = arith.constant 125 : i32
      %scan3A_102 = arith.constant 0 : i32
      %scan3A_103 = arith.constant 0 : i32
      %scan3A_104 = arith.constant 25 : i32
      %scan3A_105 = arith.addi %scan3A_103, %scan3A_104 : i32
      %scan3A_106 = arith.constant 1 : i32
      scf.for %scan3A_108 = %scan3A_103 to %scan3A_105 step %scan3A_106  : i32 {
        %mul3A_109 = arith.constant 80 : i32
        %mul3A_110 = arith.muli %scan3A_108, %mul3A_109 : i32
        %dma_start3A = tpu.memref_slice %arg10[%mul3A_110] : memref<2000xi32, #tpu.memory_space<vmem>> -> memref<80xi32, #tpu.memory_space<vmem>>
        %dma_start3A_111 = arith.constant 0 : i32
        %dma_start3A_112 = arith.constant 0 : i32
        %dma_start3A_113 = tpu.memref_slice %arg2[%dma_start3A_111, %dma_start3A_112] : memref<10240x128xf32, #tpu.memory_space<hbm>> -> memref<10240x128xf32, #tpu.memory_space<hbm>>
        tpu.enqueue_indirect_dma source(%dma_start3A_113 : memref<10240x128xf32, #tpu.memory_space<hbm>>) target(%arg15 : memref<80x128xf32, #tpu.memory_space<vmem>>) offsets(%dma_start3A : memref<80xi32, #tpu.memory_space<vmem>>) semaphore(%arg18 : memref<!tpu.dma_semaphore, #tpu.memory_space<semaphore_mem>>)
        %dma_wait3A = tpu.memref_slice %arg10[%mul3A_110] : memref<2000xi32, #tpu.memory_space<vmem>> -> memref<80xi32, #tpu.memory_space<vmem>>
        %dma_wait3A_114 = arith.constant 0 : i32
        %dma_wait3A_115 = arith.constant 0 : i32
        %dma_wait3A_116 = tpu.memref_slice %arg2[%dma_wait3A_114, %dma_wait3A_115] : memref<10240x128xf32, #tpu.memory_space<hbm>> -> memref<10240x128xf32, #tpu.memory_space<hbm>>
        tpu.wait_indirect_dma semaphore(%arg18 : memref<!tpu.dma_semaphore, #tpu.memory_space<semaphore_mem>>) src(%dma_wait3A_116 : memref<10240x128xf32, #tpu.memory_space<hbm>>) dst(%arg15 : memref<80x128xf32, #tpu.memory_space<vmem>>)
        %scan3A_117 = arith.constant 0 : i32
        %scan3A_118 = arith.constant 0 : i32
        %scan3A_119 = arith.constant 80 : i32
        %scan3A_120 = arith.addi %scan3A_118, %scan3A_119 : i32
        %scan3A_121 = arith.constant 1 : i32
        scf.for %scan3A_123 = %scan3A_118 to %scan3A_120 step %scan3A_121  : i32 {
          %mul3A_124 = arith.constant 80 : i32
          %mul3A_125 = arith.muli %scan3A_108, %mul3A_124 : i32
          %add3A_126 = arith.addi %mul3A_125, %scan3A_123 : i32
          %broadcast_in_dim3A_127 = vector.broadcast %add3A_126 : i32 to vector<16xi32>
          %gather3A = tpu.vector_load_idx %arg14[%broadcast_in_dim3A_127] : memref<2000xf32, #tpu.memory_space<vmem>>[vector<16xi32>], vector<16xf32>,
          %get3A = arith.index_cast %scan3A_123 : i32 to index
          %get3A_128 = arith.constant 0 : index
          %get3A_129 = tpu.vector_load %arg15[%get3A, %get3A_128] {strides = array<i32>} : memref<80x128xf32, #tpu.memory_space<vmem>>, vector<16xf32>,
          %mul3A_130 = arith.mulf %get3A_129, %gather3A : vector<16xf32>
          %swap3A = arith.index_cast %scan3A_123 : i32 to index
          %swap3A_131 = arith.constant 0 : index
          %swap3A_132 = tpu.vector_load %arg15[%swap3A, %swap3A_131] {strides = array<i32>} : memref<80x128xf32, #tpu.memory_space<vmem>>, vector<16xf32>,
          tpu.vector_store %arg15[%swap3A, %swap3A_131], %mul3A_130 {strides = array<i32>} : memref<80x128xf32, #tpu.memory_space<vmem>>, vector<16xf32>,
          %get3A_133 = arith.index_cast %scan3A_123 : i32 to index
          %get3A_134 = arith.constant 16 : index
          %get3A_135 = tpu.vector_load %arg15[%get3A_133, %get3A_134] {strides = array<i32>} : memref<80x128xf32, #tpu.memory_space<vmem>>, vector<16xf32>,
          %mul3A_136 = arith.mulf %get3A_135, %gather3A : vector<16xf32>
          %swap3A_137 = arith.index_cast %scan3A_123 : i32 to index
          %swap3A_138 = arith.constant 16 : index
          %swap3A_139 = tpu.vector_load %arg15[%swap3A_137, %swap3A_138] {strides = array<i32>} : memref<80x128xf32, #tpu.memory_space<vmem>>, vector<16xf32>,
          tpu.vector_store %arg15[%swap3A_137, %swap3A_138], %mul3A_136 {strides = array<i32>} : memref<80x128xf32, #tpu.memory_space<vmem>>, vector<16xf32>,
          %get3A_140 = arith.index_cast %scan3A_123 : i32 to index
          %get3A_141 = arith.constant 32 : index
          %get3A_142 = tpu.vector_load %arg15[%get3A_140, %get3A_141] {strides = array<i32>} : memref<80x128xf32, #tpu.memory_space<vmem>>, vector<16xf32>,
          %mul3A_143 = arith.mulf %get3A_142, %gather3A : vector<16xf32>
          %swap3A_144 = arith.index_cast %scan3A_123 : i32 to index
          %swap3A_145 = arith.constant 32 : index
          %swap3A_146 = tpu.vector_load %arg15[%swap3A_144, %swap3A_145] {strides = array<i32>} : memref<80x128xf32, #tpu.memory_space<vmem>>, vector<16xf32>,
          tpu.vector_store %arg15[%swap3A_144, %swap3A_145], %mul3A_143 {strides = array<i32>} : memref<80x128xf32, #tpu.memory_space<vmem>>, vector<16xf32>,
          %get3A_147 = arith.index_cast %scan3A_123 : i32 to index
          %get3A_148 = arith.constant 48 : index
          %get3A_149 = tpu.vector_load %arg15[%get3A_147, %get3A_148] {strides = array<i32>} : memref<80x128xf32, #tpu.memory_space<vmem>>, vector<16xf32>,
          %mul3A_150 = arith.mulf %get3A_149, %gather3A : vector<16xf32>
          %swap3A_151 = arith.index_cast %scan3A_123 : i32 to index
          %swap3A_152 = arith.constant 48 : index
          %swap3A_153 = tpu.vector_load %arg15[%swap3A_151, %swap3A_152] {strides = array<i32>} : memref<80x128xf32, #tpu.memory_space<vmem>>, vector<16xf32>,
          tpu.vector_store %arg15[%swap3A_151, %swap3A_152], %mul3A_150 {strides = array<i32>} : memref<80x128xf32, #tpu.memory_space<vmem>>, vector<16xf32>,
          %get3A_154 = arith.index_cast %scan3A_123 : i32 to index
          %get3A_155 = arith.constant 64 : index
          %get3A_156 = tpu.vector_load %arg15[%get3A_154, %get3A_155] {strides = array<i32>} : memref<80x128xf32, #tpu.memory_space<vmem>>, vector<16xf32>,
          %mul3A_157 = arith.mulf %get3A_156, %gather3A : vector<16xf32>
          %swap3A_158 = arith.index_cast %scan3A_123 : i32 to index
          %swap3A_159 = arith.constant 64 : index
          %swap3A_160 = tpu.vector_load %arg15[%swap3A_158, %swap3A_159] {strides = array<i32>} : memref<80x128xf32, #tpu.memory_space<vmem>>, vector<16xf32>,
          tpu.vector_store %arg15[%swap3A_158, %swap3A_159], %mul3A_157 {strides = array<i32>} : memref<80x128xf32, #tpu.memory_space<vmem>>, vector<16xf32>,
          %get3A_161 = arith.index_cast %scan3A_123 : i32 to index
          %get3A_162 = arith.constant 80 : index
          %get3A_163 = tpu.vector_load %arg15[%get3A_161, %get3A_162] {strides = array<i32>} : memref<80x128xf32, #tpu.memory_space<vmem>>, vector<16xf32>,
          %mul3A_164 = arith.mulf %get3A_163, %gather3A : vector<16xf32>
          %swap3A_165 = arith.index_cast %scan3A_123 : i32 to index
          %swap3A_166 = arith.constant 80 : index
          %swap3A_167 = tpu.vector_load %arg15[%swap3A_165, %swap3A_166] {strides = array<i32>} : memref<80x128xf32, #tpu.memory_space<vmem>>, vector<16xf32>,
          tpu.vector_store %arg15[%swap3A_165, %swap3A_166], %mul3A_164 {strides = array<i32>} : memref<80x128xf32, #tpu.memory_space<vmem>>, vector<16xf32>,
          %get3A_168 = arith.index_cast %scan3A_123 : i32 to index
          %get3A_169 = arith.constant 96 : index
          %get3A_170 = tpu.vector_load %arg15[%get3A_168, %get3A_169] {strides = array<i32>} : memref<80x128xf32, #tpu.memory_space<vmem>>, vector<16xf32>,
          %mul3A_171 = arith.mulf %get3A_170, %gather3A : vector<16xf32>
          %swap3A_172 = arith.index_cast %scan3A_123 : i32 to index
          %swap3A_173 = arith.constant 96 : index
          %swap3A_174 = tpu.vector_load %arg15[%swap3A_172, %swap3A_173] {strides = array<i32>} : memref<80x128xf32, #tpu.memory_space<vmem>>, vector<16xf32>,
          tpu.vector_store %arg15[%swap3A_172, %swap3A_173], %mul3A_171 {strides = array<i32>} : memref<80x128xf32, #tpu.memory_space<vmem>>, vector<16xf32>,
          %get3A_175 = arith.index_cast %scan3A_123 : i32 to index
          %get3A_176 = arith.constant 112 : index
          %get3A_177 = tpu.vector_load %arg15[%get3A_175, %get3A_176] {strides = array<i32>} : memref<80x128xf32, #tpu.memory_space<vmem>>, vector<16xf32>,
          %mul3A_178 = arith.mulf %get3A_177, %gather3A : vector<16xf32>
          %swap3A_179 = arith.index_cast %scan3A_123 : i32 to index
          %swap3A_180 = arith.constant 112 : index
          %swap3A_181 = tpu.vector_load %arg15[%swap3A_179, %swap3A_180] {strides = array<i32>} : memref<80x128xf32, #tpu.memory_space<vmem>>, vector<16xf32>,
          tpu.vector_store %arg15[%swap3A_179, %swap3A_180], %mul3A_178 {strides = array<i32>} : memref<80x128xf32, #tpu.memory_space<vmem>>, vector<16xf32>,
        }
        %scan3A_122 = arith.constant 80 : i32
        "tpu.region"() ({
          %run_scoped3A_123 = tpu.sem_alloc : memref<!tpu.dma_semaphore, #tpu.memory_space<semaphore_mem>>
          %dma_start3A_124 = arith.constant 0 : i32
          %dma_start3A_125 = tpu.memref_slice %arg13[%scan3A_108, %dma_start3A_124] : memref<25x80xi32, #tpu.memory_space<vmem>> -> memref<1x80xi32, #tpu.memory_space<vmem>>
          %dma_start3A_126 = tpu.memref_squeeze %dma_start3A_125 : memref<1x80xi32, #tpu.memory_space<vmem>> -> memref<80xi32, #tpu.memory_space<vmem>>
          %dma_start3A_127 = arith.constant 0 : i32
          %dma_start3A_128 = arith.constant 0 : i32
          %dma_start3A_129 = tpu.memref_slice %arg17[%dma_start3A_127, %dma_start3A_128] : memref<10240x128xf32, #tpu.memory_space<vmem_shared>> -> memref<10240x128xf32, #tpu.memory_space<vmem_shared>>
          tpu.enqueue_indirect_dma source(%arg15 : memref<80x128xf32, #tpu.memory_space<vmem>>) target(%dma_start3A_129 : memref<10240x128xf32, #tpu.memory_space<vmem_shared>>) offsets(%dma_start3A_126 : memref<80xi32, #tpu.memory_space<vmem>>) semaphore(%run_scoped3A_123 : memref<!tpu.dma_semaphore, #tpu.memory_space<semaphore_mem>>) {add = true}
          %dma_wait3A_130 = arith.constant 0 : i32
          %dma_wait3A_131 = tpu.memref_slice %arg13[%scan3A_108, %dma_wait3A_130] : memref<25x80xi32, #tpu.memory_space<vmem>> -> memref<1x80xi32, #tpu.memory_space<vmem>>
          %dma_wait3A_132 = tpu.memref_squeeze %dma_wait3A_131 : memref<1x80xi32, #tpu.memory_space<vmem>> -> memref<80xi32, #tpu.memory_space<vmem>>
          %dma_wait3A_133 = arith.constant 0 : i32
          %dma_wait3A_134 = arith.constant 0 : i32
          %dma_wait3A_135 = tpu.memref_slice %arg17[%dma_wait3A_133, %dma_wait3A_134] : memref<10240x128xf32, #tpu.memory_space<vmem_shared>> -> memref<10240x128xf32, #tpu.memory_space<vmem_shared>>
          tpu.wait_indirect_dma semaphore(%run_scoped3A_123 : memref<!tpu.dma_semaphore, #tpu.memory_space<semaphore_mem>>) src(%arg15 : memref<80x128xf32, #tpu.memory_space<vmem>>) dst(%dma_wait3A_135 : memref<10240x128xf32, #tpu.memory_space<vmem_shared>>)
          tpu.yield
        }) : () -> ()
      }
      %scan3A_107 = arith.constant 25 : i32
    }
    %scan3A_89 = arith.constant 10 : i32
    %barrier3A_90 = arith.constant 0 : index
    tpu.barrier barrier_id(%barrier3A_90)
    %mul3A_91 = arith.constant 640 : i32
    %mul3A_92 = arith.muli %arg1, %mul3A_91 : i32
    %mul3A_93 = arith.constant 640 : i32
    %mul3A_94 = arith.muli %arg1, %mul3A_93 : i32
    %run_scoped3A = arith.constant 0 : i32
    "tpu.region"() ({
      %run_scoped3A_95 = tpu.sem_alloc : memref<!tpu.dma_semaphore, #tpu.memory_space<semaphore_mem>>
      %dma_start3A = arith.constant 0 : i32
      %dma_start3A_96 = tpu.memref_slice %arg8[%run_scoped3A, %mul3A_94, %dma_start3A] : memref<1x10240x128xf32, #tpu.memory_space<hbm>> -> memref<1x640x128xf32, #tpu.memory_space<hbm>>
      %dma_start3A_97 = tpu.memref_squeeze %dma_start3A_96 : memref<1x640x128xf32, #tpu.memory_space<hbm>> -> memref<640x128xf32, #tpu.memory_space<hbm>>
      %dma_start3A_98 = arith.constant 0 : i32
      %dma_start3A_99 = tpu.memref_slice %arg17[%mul3A_92, %dma_start3A_98] : memref<10240x128xf32, #tpu.memory_space<vmem_shared>> -> memref<640x128xf32, #tpu.memory_space<vmem_shared>>
      tpu.enqueue_dma source(%dma_start3A_99 : memref<640x128xf32, #tpu.memory_space<vmem_shared>>) target(%dma_start3A_97 : memref<640x128xf32, #tpu.memory_space<hbm>>) target_semaphore(%run_scoped3A_95 : memref<!tpu.dma_semaphore, #tpu.memory_space<semaphore_mem>>)
      %dma_wait3A = arith.constant 0 : i32
      %dma_wait3A_100 = tpu.memref_slice %arg8[%run_scoped3A, %mul3A_94, %dma_wait3A] : memref<1x10240x128xf32, #tpu.memory_space<hbm>> -> memref<1x640x128xf32, #tpu.memory_space<hbm>>
      %dma_wait3A_101 = tpu.memref_squeeze %dma_wait3A_100 : memref<1x640x128xf32, #tpu.memory_space<hbm>> -> memref<640x128xf32, #tpu.memory_space<hbm>>
      %dma_wait3A_102 = arith.constant 0 : i32
      %dma_wait3A_103 = tpu.memref_slice %arg17[%mul3A_92, %dma_wait3A_102] : memref<10240x128xf32, #tpu.memory_space<vmem_shared>> -> memref<640x128xf32, #tpu.memory_space<vmem_shared>>
      tpu.wait_dma2 semaphore(%run_scoped3A_95 : memref<!tpu.dma_semaphore, #tpu.memory_space<semaphore_mem>>) src(%dma_wait3A_103 : memref<640x128xf32, #tpu.memory_space<vmem_shared>>) dst(%dma_wait3A_101 : memref<640x128xf32, #tpu.memory_space<hbm>>)
      tpu.yield
    }) : () -> ()
    return
  }
}

module attributes {stable_mosaic.version = 14 : i64} {
  func.func @_tc1_kernel(%arg0: i32, %arg1: memref<1280x128xf32, #tpu.memory_space<vmem>>, %arg2: memref<128x128xf32, #tpu.memory_space<vmem>>, %arg3: memref<1280x32xf32, #tpu.memory_space<vmem>>, %arg4: memref<1280x128xf32, #tpu.memory_space<vmem>>, %arg5: memref<1280x1xf32, #tpu.memory_space<vmem>>) attributes {dimension_semantics = [#tpu.dimension_semantics<arbitrary>], iteration_bounds = array<i64: 8>, scalar_prefetch = 0 : i64, scratch_operands = 0 : i64, tpu.core_type = #tpu.core_type<tc>, window_params = [{transform_indices = @transform_0, window_bounds = array<i64: 1280, 128>}, {pipeline_mode = #tpu.pipeline_mode<synchronous>, transform_indices = @transform_1, window_bounds = array<i64: 128, 128>}, {transform_indices = @transform_2, window_bounds = array<i64: 1280, 32>}, {transform_indices = @transform_3, window_bounds = array<i64: 1280, 128>}, {transform_indices = @transform_4, window_bounds = array<i64: 1280, 1>}]} {
    %get3A = arith.constant 0 : index
    %get3A_0 = arith.constant 0 : index
    %get3A_1 = vector.load %arg1[%get3A, %get3A_0] : memref<1280x128xf32, #tpu.memory_space<vmem>>, vector<1280x128xf32>
    %get3A_2 = arith.constant 0 : index
    %get3A_3 = arith.constant 0 : index
    %get3A_4 = vector.load %arg2[%get3A_2, %get3A_3] : memref<128x128xf32, #tpu.memory_space<vmem>>, vector<128x128xf32>
    %dot_general3A = arith.constant dense<0.000000e+00> : vector<1280x128xf32>
    %dot_general3A_5 = tpu.matmul %get3A_1, %get3A_4, %dot_general3A {dimension_numbers = #tpu.dot_dimension_numbers<[1], [0], [0], [1], [0, 0, 1, 1], [], []>, transpose_lhs_hint = false} : vector<1280x128xf32>, vector<128x128xf32>, vector<1280x128xf32> -> vector<1280x128xf32>
    %swap3A = arith.constant 0 : index
    %swap3A_6 = arith.constant 0 : index
    %swap3A_7 = vector.load %arg4[%swap3A, %swap3A_6] : memref<1280x128xf32, #tpu.memory_space<vmem>>, vector<1280x128xf32>
    tpu.vector_store %arg4[%swap3A, %swap3A_6], %dot_general3A_5 {strides = array<i32>} : memref<1280x128xf32, #tpu.memory_space<vmem>>, vector<1280x128xf32>,
    %get3A_8 = arith.constant 0 : index
    %get3A_9 = arith.constant 0 : index
    %get3A_10 = vector.load %arg3[%get3A_8, %get3A_9] : memref<1280x32xf32, #tpu.memory_space<vmem>>, vector<1280x32xf32>
    %reduce_sum3A = arith.constant dense<0.000000e+00> : vector<1280xf32>
    %reduce_sum3A_11 = vector.multi_reduction <add>, %get3A_10, %reduce_sum3A [1] : vector<1280x32xf32> to vector<1280xf32>
    %broadcast_in_dim3A = vector.shape_cast %reduce_sum3A_11 : vector<1280xf32> to vector<1280x1xf32>
    %add3A = arith.constant 1.000000e+00 : f32
    %add3A_12 = vector.broadcast %add3A : f32 to vector<1280x1xf32>
    %add3A_13 = arith.addf %broadcast_in_dim3A, %add3A_12 : vector<1280x1xf32>
    %rsqrt3A = math.rsqrt %add3A_13 : vector<1280x1xf32>
    %swap3A_14 = arith.constant 0 : index
    %swap3A_15 = arith.constant 0 : index
    %swap3A_16 = vector.load %arg5[%swap3A_14, %swap3A_15] : memref<1280x1xf32, #tpu.memory_space<vmem>>, vector<1280x1xf32>
    tpu.vector_store %arg5[%swap3A_14, %swap3A_15], %rsqrt3A {strides = array<i32>} : memref<1280x1xf32, #tpu.memory_space<vmem>>, vector<1280x1xf32>,
    return
  }
  func.func @transform_0(%arg0: i32) -> (i32, i32) {
    %c0_i32 = arith.constant 0 : i32
    %c0_i32_0 = arith.constant 0 : i32
    return %arg0, %c0_i32 : i32, i32
  }
  func.func @transform_1(%arg0: i32) -> (i32, i32) {
    %c0_i32 = arith.constant 0 : i32
    %c0_i32_0 = arith.constant 0 : i32
    %c0_i32_1 = arith.constant 0 : i32
    return %c0_i32, %c0_i32_0 : i32, i32
  }
  func.func @transform_2(%arg0: i32) -> (i32, i32) {
    %c0_i32 = arith.constant 0 : i32
    %c0_i32_0 = arith.constant 0 : i32
    return %arg0, %c0_i32 : i32, i32
  }
  func.func @transform_3(%arg0: i32) -> (i32, i32) {
    %c0_i32 = arith.constant 0 : i32
    %c0_i32_0 = arith.constant 0 : i32
    return %arg0, %c0_i32 : i32, i32
  }
  func.func @transform_4(%arg0: i32) -> (i32, i32) {
    %c0_i32 = arith.constant 0 : i32
    %c0_i32_0 = arith.constant 0 : i32
    return %arg0, %c0_i32 : i32, i32
  }
}

module attributes {stable_mosaic.version = 14 : i64} {
  func.func @_tc2_kernel(%arg0: i32, %arg1: i32, %arg2: memref<1x400x12xf32, #tpu.memory_space<vmem>>, %arg3: memref<1x400x128xf32, #tpu.memory_space<vmem>>, %arg4: memref<400x128xf32, #tpu.memory_space<vmem>>, %arg5: memref<400x1xf32, #tpu.memory_space<vmem>>, %arg6: memref<12x128xf32, #tpu.memory_space<vmem>>, %arg7: memref<1x128xf32, #tpu.memory_space<vmem>>, %arg8: memref<1x128xf32, #tpu.memory_space<vmem>>, %arg9: memref<1x128xf32, #tpu.memory_space<vmem>>, %arg10: memref<1x400x12x128xf32, #tpu.memory_space<vmem>>) attributes {dimension_semantics = [#tpu.dimension_semantics<arbitrary>, #tpu.dimension_semantics<arbitrary>], iteration_bounds = array<i64: 25, 4>, scalar_prefetch = 0 : i64, scratch_operands = 0 : i64, tpu.core_type = #tpu.core_type<tc>, window_params = [{transform_indices = @transform_0, window_bounds = array<i64: 1, 400, 12>}, {transform_indices = @transform_1, window_bounds = array<i64: 1, 400, 128>}, {transform_indices = @transform_2, window_bounds = array<i64: 400, 128>}, {transform_indices = @transform_3, window_bounds = array<i64: 400, 1>}, {pipeline_mode = #tpu.pipeline_mode<synchronous>, transform_indices = @transform_4, window_bounds = array<i64: 12, 128>}, {pipeline_mode = #tpu.pipeline_mode<synchronous>, transform_indices = @transform_5, window_bounds = array<i64: 1, 128>}, {pipeline_mode = #tpu.pipeline_mode<synchronous>, transform_indices = @transform_6, window_bounds = array<i64: 1, 128>}, {pipeline_mode = #tpu.pipeline_mode<synchronous>, transform_indices = @transform_7, window_bounds = array<i64: 1, 128>}, {transform_indices = @transform_8, window_bounds = array<i64: 1, 400, 12, 128>}]} {
    %get3A = arith.constant 0 : index
    %get3A_0 = arith.constant 0 : index
    %get3A_1 = vector.load %arg5[%get3A, %get3A_0] : memref<400x1xf32, #tpu.memory_space<vmem>>, vector<400x1xf32>
    %get3A_2 = arith.constant 0 : index
    %get3A_3 = arith.constant 0 : index
    %get3A_4 = arith.constant 0 : index
    %get3A_5 = vector.load %arg3[%get3A_2, %get3A_3, %get3A_4] : memref<1x400x128xf32, #tpu.memory_space<vmem>>, vector<1x400x128xf32>
    %get3A_6 = vector.shape_cast %get3A_5 : vector<1x400x128xf32> to vector<400x128xf32>
    %get3A_7 = arith.constant 0 : index
    %get3A_8 = arith.constant 0 : index
    %get3A_9 = vector.load %arg4[%get3A_7, %get3A_8] : memref<400x128xf32, #tpu.memory_space<vmem>>, vector<400x128xf32>
    %mul3A = arith.mulf %get3A_1, %get3A_1 : vector<400x1xf32>
    %mul3A_10 = vector.broadcast %mul3A : vector<400x1xf32> to vector<400x128xf32>
    %mul3A_11 = arith.mulf %get3A_9, %mul3A_10 : vector<400x128xf32>
    %add3A = arith.addf %get3A_6, %mul3A_11 : vector<400x128xf32>
    %get3A_12 = arith.constant 0 : index
    %get3A_13 = arith.constant 0 : index
    %get3A_14 = vector.load %arg9[%get3A_12, %get3A_13] : memref<1x128xf32, #tpu.memory_space<vmem>>, vector<1x128xf32>
    %add3A_15 = vector.broadcast %get3A_14 : vector<1x128xf32> to vector<400x128xf32>
    %add3A_16 = arith.addf %add3A, %add3A_15 : vector<400x128xf32>
    %broadcast_in_dim3A = vector.shape_cast %add3A_16 : vector<400x128xf32> to vector<400x1x128xf32>
    %get3A_17 = arith.constant 0 : index
    %get3A_18 = arith.constant 0 : index
    %get3A_19 = vector.load %arg6[%get3A_17, %get3A_18] : memref<12x128xf32, #tpu.memory_space<vmem>>, vector<12x128xf32>
    %get3A_20 = arith.constant 0 : index
    %get3A_21 = arith.constant 0 : index
    %get3A_22 = vector.load %arg8[%get3A_20, %get3A_21] : memref<1x128xf32, #tpu.memory_space<vmem>>, vector<1x128xf32>
    %add3A_23 = vector.broadcast %get3A_22 : vector<1x128xf32> to vector<12x128xf32>
    %add3A_24 = arith.addf %get3A_19, %add3A_23 : vector<12x128xf32>
    %broadcast_in_dim3A_25 = vector.shape_cast %add3A_24 : vector<12x128xf32> to vector<1x12x128xf32>
    %add3A_26 = vector.broadcast %broadcast_in_dim3A : vector<400x1x128xf32> to vector<400x12x128xf32>
    %add3A_27 = vector.broadcast %broadcast_in_dim3A_25 : vector<1x12x128xf32> to vector<400x12x128xf32>
    %add3A_28 = arith.addf %add3A_26, %add3A_27 : vector<400x12x128xf32>
    %get3A_29 = arith.constant 0 : index
    %get3A_30 = arith.constant 0 : index
    %get3A_31 = arith.constant 0 : index
    %get3A_32 = vector.load %arg2[%get3A_29, %get3A_30, %get3A_31] : memref<1x400x12xf32, #tpu.memory_space<vmem>>, vector<1x400x12xf32>
    %get3A_33 = vector.shape_cast %get3A_32 : vector<1x400x12xf32> to vector<400x12xf32>
    %broadcast_in_dim3A_34 = vector.shape_cast %get3A_33 : vector<400x12xf32> to vector<400x12x1xf32>
    %get3A_35 = arith.constant 0 : index
    %get3A_36 = arith.constant 0 : index
    %get3A_37 = vector.load %arg7[%get3A_35, %get3A_36] : memref<1x128xf32, #tpu.memory_space<vmem>>, vector<1x128xf32>
    %broadcast_in_dim3A_38 = vector.shape_cast %get3A_37 : vector<1x128xf32> to vector<1x1x128xf32>
    %mul3A_39 = vector.broadcast %broadcast_in_dim3A_34 : vector<400x12x1xf32> to vector<400x12x128xf32>
    %mul3A_40 = vector.broadcast %broadcast_in_dim3A_38 : vector<1x1x128xf32> to vector<400x12x128xf32>
    %mul3A_41 = arith.mulf %mul3A_39, %mul3A_40 : vector<400x12x128xf32>
    %add3A_42 = arith.addf %mul3A_41, %add3A_28 : vector<400x12x128xf32>
    %swap3A = arith.constant 0 : index
    %swap3A_43 = arith.constant 0 : index
    %swap3A_44 = arith.constant 0 : index
    %swap3A_45 = arith.constant 0 : index
    %swap3A_46 = vector.load %arg10[%swap3A, %swap3A_43, %swap3A_44, %swap3A_45] : memref<1x400x12x128xf32, #tpu.memory_space<vmem>>, vector<1x400x12x128xf32>
    %swap3A_47 = vector.shape_cast %swap3A_46 : vector<1x400x12x128xf32> to vector<400x12x128xf32>
    %swap3A_48 = vector.shape_cast %add3A_42 : vector<400x12x128xf32> to vector<1x400x12x128xf32>
    tpu.vector_store %arg10[%swap3A, %swap3A_43, %swap3A_44, %swap3A_45], %swap3A_48 {strides = array<i32>} : memref<1x400x12x128xf32, #tpu.memory_space<vmem>>, vector<1x400x12x128xf32>,
    return
  }
  func.func @transform_0(%arg0: i32, %arg1: i32) -> (i32, i32, i32) {
    %c0_i32 = arith.constant 0 : i32
    %c0_i32_0 = arith.constant 0 : i32
    return %arg1, %arg0, %c0_i32 : i32, i32, i32
  }
  func.func @transform_1(%arg0: i32, %arg1: i32) -> (i32, i32, i32) {
    %c0_i32 = arith.constant 0 : i32
    %c0_i32_0 = arith.constant 0 : i32
    %c0_i32_1 = arith.constant 0 : i32
    return %c0_i32, %arg0, %c0_i32_0 : i32, i32, i32
  }
  func.func @transform_2(%arg0: i32, %arg1: i32) -> (i32, i32) {
    %c0_i32 = arith.constant 0 : i32
    %c0_i32_0 = arith.constant 0 : i32
    return %arg0, %c0_i32 : i32, i32
  }
  func.func @transform_3(%arg0: i32, %arg1: i32) -> (i32, i32) {
    %c0_i32 = arith.constant 0 : i32
    %c0_i32_0 = arith.constant 0 : i32
    return %arg0, %c0_i32 : i32, i32
  }
  func.func @transform_4(%arg0: i32, %arg1: i32) -> (i32, i32) {
    %c0_i32 = arith.constant 0 : i32
    %c0_i32_0 = arith.constant 0 : i32
    %c0_i32_1 = arith.constant 0 : i32
    return %c0_i32, %c0_i32_0 : i32, i32
  }
  func.func @transform_5(%arg0: i32, %arg1: i32) -> (i32, i32) {
    %c0_i32 = arith.constant 0 : i32
    %c0_i32_0 = arith.constant 0 : i32
    %c0_i32_1 = arith.constant 0 : i32
    return %c0_i32, %c0_i32_0 : i32, i32
  }
  func.func @transform_6(%arg0: i32, %arg1: i32) -> (i32, i32) {
    %c0_i32 = arith.constant 0 : i32
    %c0_i32_0 = arith.constant 0 : i32
    %c0_i32_1 = arith.constant 0 : i32
    return %c0_i32, %c0_i32_0 : i32, i32
  }
  func.func @transform_7(%arg0: i32, %arg1: i32) -> (i32, i32) {
    %c0_i32 = arith.constant 0 : i32
    %c0_i32_0 = arith.constant 0 : i32
    %c0_i32_1 = arith.constant 0 : i32
    return %c0_i32, %c0_i32_0 : i32, i32
  }
  func.func @transform_8(%arg0: i32, %arg1: i32) -> (i32, i32, i32, i32) {
    %c0_i32 = arith.constant 0 : i32
    %c0_i32_0 = arith.constant 0 : i32
    %c0_i32_1 = arith.constant 0 : i32
    return %arg1, %arg0, %c0_i32, %c0_i32_0 : i32, i32, i32, i32
  }
}

</mosaic_0001>

<sc_bundles>
// kernel: kernel.6.cloned.1.call-start
scs
__scs_entry_jumppad:
0x0: {  	(pc) =	sbr.rel $0x88, $3  }
0x1: {  	(tag) =	ssettag $0x0;
	lr =	simm.s32 $0x1  }
0x2: {  	[smem:$0x3F99] =	sst lr;
	_ =	strace $0xD0000000  }
0x3: {  	_ = 	snop  }
0x4: {  	_ = 	snop  }
0x5: {  	_ = 	snop  }
0x6: {  	_ = 	snop  }
0x7: {  	_ = 	snop  }
__scs_overlays_trampoline_lowered:
0x8: {  	[smem:$0x3FA8] =	sst s0  }
0x9: {  	[smem:$0x3FA9] =	sst s1  }
0xa: {  	[smem:$0x3FAA] =	sst s2  }
0xb: {  	[smem:$0x3FAB] =	sst s3  }
0xc: {  	[smem:$0x3FAC] =	sst s4  }
0xd: {  	[smem:$0x3FAD] =	sst s5  }
0xe: {  	[smem:$0x3FAE] =	sst s6  }
0xf: {  	[smem:$0x3FAF] =	sst s7  }
0x10: {  	[smem:$0x3FB0] =	sst s8  }
0x11: {  	[smem:$0x3FB1] =	sst s9;
	s0 =	simm.s32 @!p0 $0x0  }
0x12: {  	s1 =	sld [smem:$0x3F97];
	s0 =	simm.s32 @p0 $0x1  }
0x13: {  	[smem:$0x3FB2] =	sst s0;
	s0 =	simm.s32 @!p1 $0x0  }
0x14: {  	s2 =	sld [smem:$0x3F96];
	s0 =	simm.s32 @p1 $0x1  }
0x15: {  	[smem:$0x3FB3] =	sst s0;
	s0 =	simm.s32 @!p2 $0x0  }
0x16: {  	s3 =	sld [smem:$0x3FDB];
	s0 =	simm.s32 @p2 $0x1  }
0x17: {  	s4 =	simm.s32 $0x1BF5;
	[smem:$0x3FB5] =	sst s0  }
0x18: {  	s0 =	sld [smem:$0x3F98];
	_ =	swait.ge [sflag:s4], $0x0  }
0x19: {  	s7 =	sld [smem:$0x3F99]  }
0x1a: {  	s8 =	sadd.s32 $0xFFFFE003, lr  }
0x1b: {  	s9 =	sadd.s32 $0xFFFFFEF7, lr;
	s5 =	simm.s32 $0xFFFFFFFF;
	p2 =	slt.u32 s8, $0xFFFFF086  }
0x1c: {  	p1 =	slt.u32 s9, $0xF7A;
	s5 =	simm.s32 @!p2 $0x0  }
0x1d: {  	s5 =	simm.s32 @p1 $0x1;
	p0 =	seq.s32 s7, s2  }
0x1e: {  	s7 =	smul.u32 @!p0 $0xF7A, s2;
	p2 =	seq.s32 @!p0 s5, $0x0  }
0x1f: {  	s9 =	smul.u32 $0xF7A, s1;
	s8 =	simm.s32 @!p0 $0x1BF5;
	p2 =	por !p2, p0  }
0x20: {  	[sflag:s8] =	ssyncset.s32 @!p0 $0xFFFFF086;
	s6 =	sadd.s32 @!p0 s3, s7;
	s7 =	simm.s32 @!p0 $0x108  }
0x21: {  	s3 =	sadd.s32 s3, s9;
	s6 =	sadd.s32 @!p0 $0x88, s6;
	s7 =	simm.s32 @p2 $0x1082  }
0x22: {  	[simem:s7], [sflag:s8] =	dma.local @!p0 [hbm:s6], $0xF7A  }
0x23: {  	s9 =	sor.u32 $0xD0000000, s2;
	s6 =	simm.s32 $0x108;
	_ =	swait.ge @!p0 [sflag:s8], $0x0  }
0x24: {  	s3 =	sadd.s32 $0x88, s3;
	s6 =	simm.s32 @!p1 $0x1082;
	[sflag:s4] =	ssyncset.s32 $0xFFFFF086  }
0x25: {  	[simem:s6], [sflag:s4] =	dma.local [hbm:s3], $0xF7A  }
0x26: {  	[smem:$0x3F99] =	sst s1;
	(tag) =	ssettag s2;
	_ =	strace s9  }
0x27: {  	s1 =	sld [smem:$0x3FA9]  }
0x28: {  	s2 =	sld [smem:$0x3FAA]  }
0x29: {  	s4 =	sld [smem:$0x3FAC]  }
0x2a: {  	p0 =	seq.s32 s5, $0x0;
	s5 =	sld [smem:$0x3FAD]  }
0x2b: {  	s6 =	sld [smem:$0x3FAE]  }
0x2c: {  	s7 =	sld [smem:$0x3FAF]  }
0x2d: {  	s3 =	simm.s32 $0x108;
	s8 =	sld [smem:$0x3FB0]  }
0x2e: {  	s3 =	simm.s32 @!p0 $0x1082;
	s9 =	sld [smem:$0x3FB1]  }
0x2f: {  	lr =	sadd.s32 s0, s3;
	s0 =	sld [smem:$0x3FA8]  }
0x30: {  	s3 =	sld [smem:$0x3FAB]  }
0x31: {  	[smem:$0x3FB4] =	sst s10  }
0x32: {  	s10 =	sld [smem:$0x3FB2];
	_ =	sdelay $0x3  }
0x33: {  	p0 =	seq.s32 s10, $0x1;
	s10 =	sld [smem:$0x3FB4];
	_ =	sdelay $0x3  }
0x34: {  	[smem:$0x3FB4] =	sst s10  }
0x35: {  	s10 =	sld [smem:$0x3FB3];
	_ =	sdelay $0x3  }
0x36: {  	p1 =	seq.s32 s10, $0x1;
	s10 =	sld [smem:$0x3FB4];
	_ =	sdelay $0x3  }
0x37: {  	[smem:$0x3FB4] =	sst s10  }
0x38: {  	s10 =	sld [smem:$0x3FB5]  }
0x39: {  	_ = 	snop;
	(pc) =	sbr.ind lr, $3  }
0x3a: {  	_ = 	snop  }
0x3b: {  	_ = 	snop  }
0x3c: {  	p2 =	seq.s32 s10, $0x1;
	s10 =	sld [smem:$0x3FB4]  }
0x3d: {  	_ =	shalt  }
0x3e: {  	_ =	shalt  }
0x3f: {  	_ =	shalt  }
0x40: {  	_ =	shalt  }
0x41: {  	_ =	shalt  }
0x42: {  	_ =	shalt  }
0x43: {  	_ =	shalt  }
0x44: {  	_ =	shalt  }
0x45: {  	_ =	shalt  }
0x46: {  	_ =	shalt  }
0x47: {  	_ =	shalt  }
0x48: {  	_ =	shalt  }
0x49: {  	_ =	shalt  }
0x4a: {  	_ =	shalt  }
0x4b: {  	_ =	shalt  }
0x4c: {  	_ =	shalt  }
0x4d: {  	_ =	shalt  }
0x4e: {  	_ =	shalt  }
0x4f: {  	_ =	shalt  }
0x50: {  	_ =	shalt  }
0x51: {  	_ =	shalt  }
0x52: {  	_ =	shalt  }
0x53: {  	_ =	shalt  }
0x54: {  	_ =	shalt  }
0x55: {  	_ =	shalt  }
0x56: {  	_ =	shalt  }
0x57: {  	_ =	shalt  }
0x58: {  	_ =	shalt  }
0x59: {  	_ =	shalt  }
0x5a: {  	_ =	shalt  }
0x5b: {  	_ =	shalt  }
0x5c: {  	_ =	shalt  }
0x5d: {  	_ =	shalt  }
0x5e: {  	_ =	shalt  }
0x5f: {  	_ =	shalt  }
0x60: {  	_ =	shalt  }
0x61: {  	_ =	shalt  }
0x62: {  	_ =	shalt  }
0x63: {  	_ =	shalt  }
0x64: {  	_ =	shalt  }
0x65: {  	_ =	shalt  }
0x66: {  	_ =	shalt  }
0x67: {  	_ =	shalt  }
0x68: {  	_ =	shalt  }
0x69: {  	_ =	shalt  }
0x6a: {  	_ =	shalt  }
0x6b: {  	_ =	shalt  }
0x6c: {  	_ =	shalt  }
0x6d: {  	_ =	shalt  }
0x6e: {  	_ =	shalt  }
0x6f: {  	_ =	shalt  }
0x70: {  	_ =	shalt  }
0x71: {  	_ =	shalt  }
0x72: {  	_ =	shalt  }
0x73: {  	_ =	shalt  }
0x74: {  	_ =	shalt  }
0x75: {  	_ =	shalt  }
0x76: {  	_ =	shalt  }
0x77: {  	_ =	shalt  }
0x78: {  	_ =	shalt  }
0x79: {  	_ =	shalt  }
0x7a: {  	_ =	shalt  }
0x7b: {  	_ =	shalt  }
0x7c: {  	_ =	shalt  }
0x7d: {  	_ =	shalt  }
0x7e: {  	_ =	shalt  }
0x7f: {  	_ =	shalt  }
0x80: {  	_ =	shalt  }
0x81: {  	_ =	shalt  }
0x82: {  	_ =	shalt  }
0x83: {  	_ =	shalt  }
0x84: {  	_ =	shalt  }
0x85: {  	_ =	shalt  }
0x86: {  	_ =	shalt  }
0x87: {  	_ =	shalt  }
.Lfunc_end0:
.L_simem_size_0:
called_computation_lowered:
.L_overlay_start_0:
0x88: {  	s2 =	sld [smem:$0x3FD9]  }
0x89: {  	s3 =	sld [smem:$0x3FFE];
	_ =	sdelay $0x1  }
0x8a: {  	s1 =	srdreg.scid  }
0x8b: {  	s0 =	sand.u32 $0x1, s1  }
0x8c: {  	s17 =	sshll.u32 s0, $0xA;
	s2 =	sadd.s32 s3, s2  }
0x8d: {  	s2 =	sadd.s32 s2, s17  }
0x8e: {  	[smem:$0x3FC0] =	sst s2  }
0x8f: {  	_ = 	snop  }
0x90: {  	s2 =	sld [smem:$0x3FD0];
	(tm) =	ssettm $0x1  }
0x91: {  	s18 =	sld [smem:$0x3FFB];
	_ =	sdelay $0x3  }
0x92: {  	_ =	strace s18  }
0x93: {  	s3 =	sld [smem:$0x3FFC];
	_ =	sdelay $0x3  }
0x94: {  	_ =	strace s3  }
0x95: {  	s3 =	sld [smem:$0x3FFD];
	_ =	sdelay $0x3  }
0x96: {  	_ =	strace s3  }
0x97: {  	_ =	strace $0x8FFFFFFF  }
0x98: {  	s19 =	sld [smem:$0x3FDB];
	_ =	sdelay $0x1  }
0x99: {  	s4 =	simm.s32 $_scs_section_size  }
0x9a: {  	s5 =	simm.s32 $_size__tile_overlayer_lowered;
	s6 =	simm.s32 $_tile_overlayer_lowered  }
0x9b: {  	s22 =	simm.s32 $0x1BFF;
	s21 =	sshll.u32 s6, $0x1;
	s3 =	sadd.s32 s4, s19  }
0x9c: {  	s7 =	simm.s32 $0x0;
	s20 =	sshll.u32 s5, $0x1;
	s5 =	sadd.s32 s21, s3  }
0x9d: {  	[timem:s7], [sflag:s22] =	dma.local [hbm:s5], s20  }
0x9e: {  	_ =	swait.ge [sflag:s22], s20  }
0x9f: {  	s4 =	ssub.s32 $0x0, s20;
	[sflag:s22] =	ssyncset.done $0x0  }
0xa0: {  	[sflag:s22] =	ssyncadd.s32 s4;
	_ =	sdelay $0x1  }
0xa1: {  	s23 =	simm.s32 $0x1B8B  }
0xa2: {  	_ =	swait.ge [sflag:s23], $0x1  }
0xa3: {  	[sflag:s23] =	ssyncset.done $0x0  }
0xa4: {  	s25 =	simm.s32 $0x1B8E;
	s24 =	sld [smem:$0x3FFE];
	[sflag:s23] =	ssyncadd.s32 $0xFFFFFFFF  }
0xa5: {  	s26 =	simm.s32 $execute0_lowered;
	[smem:$0x3FD2] =	sst s25  }
0xa6: {  	s5 =	sshll.u32 s26, $0x1;
	_ =	strace $0x80000046;
	[dreg:$0x1] =	wrdreg $0xFFFFFFFF  }
0xa7: {  	s28 =	simm.s32 $_size_execute0_lowered;
	s3 =	sadd.s32 s3, s5;
	[dreg:$0x0] =	wrdreg $0x0  }
0xa8: {  	s5 =	sshll.u32 s28, $0x1;
	[dreg:$0x2] =	wrdreg s3  }
0xa9: {  	[dreg:$0x3] =	wrdreg s5  }
0xaa: {  	[dreg:$0x4] =	wrdreg $0xC0  }
0xab: {  	_ =	task [dreg:s7], $0x5FFFF  }
0xac: {  	[dreg:$0x1] =	wrdreg $0xFFFFFFFF  }
0xad: {  	[dreg:$0x0] =	wrdreg $0x60  }
0xae: {  	[dreg:$0x2] =	wrdreg s24  }
0xaf: {  	[dreg:$0x3] =	wrdreg s2  }
0xb0: {  	[dreg:$0x4] =	wrdreg $0x9  }
0xb1: {  	_ =	task.clear_ibuf [dreg:s7], $0x5FFFF;
	_ =	strace $0x90000046  }
0xb2: {  	s29 =	simm.s32 $0x9;
	_ =	strace $0x80000048  }
0xb3: {  	_ =	swait.ge [sflag:s29], $0x1  }
0xb4: {  	[sflag:s29] =	ssyncadd.s32 $0xFFFFFFFF  }
0xb5: {  	_ =	strace $0x90000048  }
0xb6: {  	_ =	sfence  }
0xb7: {  	s30 =	sld [smem:$0x0];
	_ =	sdelay $0x2  }
0xb8: {  	s31 =	sshll.u32 s1, $0xD;
	s1 =	sshrl.u32 s1, $0x2  }
0xb9: {  	s3 =	sand.u32 $0x4000, s31;
	s1 =	sadd.s32 s1, s30  }
0xba: {  	s0 =	sor.u32 s3, s0;
	s1 =	sshll.u32 s1, $0x11  }
0xbb: {  	s0 =	sor.u32 s1, s0  }
0xbc: {  	s0 =	sadd.s32 $0x8F2B, s0  }
0xbd: {  	[sflag:s0] =	ssyncadd.remote.s32 $0x1  }
0xbe: {  	_ =	sfence.sel $0xFFFF  }
0xbf: {  	[dreg:$0x0] =	wrdreg $0xFFFFFFFF;
	(pc) =	sbr.abs _section_cstart, $3  }
0xc0: {  	[dreg:$0x1] =	wrdreg $0xFFFFFFFF  }
0xc1: {  	_ =	task.clear_ibuf [dreg:s7], $0x2FFFF;
	_ =	strace $0x9FFFFFFF  }
0xc2: {  	(tm) =	ssettm $0x7FFFFFFF  }
0xc3: {  	_ =	shalt  }
tec
execute0_lowered:
.L_overlay_start_1:
0x0: {  	(tag) =	ssettag $0x1  }
0x1: {  	s3 =	rddreg [dreg:$0x0]  }
0x2: {  	s5 =	rddreg [dreg:$0x1]  }
0x3: {  	s1 =	srdreg.scid;
	s0 =	stileid.u32  }
0x4: {  	s2 =	simm.s32 $0x0;
	s10 =	simm.s32 $0x2780;
	s11 =	simm.s32 $0x4F00  }
0x5: {  	s12 =	simm.s32 $0x0;
	s4 =	sand.u32 $0x1, s1;
	s1 =	rddreg [dreg:$0x2]  }
0x6: {  	s6 =	sshrl.u32 s0, $0x2;
	s29 =	sshll.u32 s0, $0x8;
	[smem:$0x7FF] =	sst s2  }
0x7: {  	s7 =	sshll.u32 s4, $0x7;
	s8 =	sand.u32 $0x300, s29;
	s9 =	smul.u32 $0x13C00, s6  }
0x8: {  	s6 =	smul.u32 $0x14000, s6;
	s4 =	ssub.s32 $0x2, s4;
	s7 =	sor.u32 s7, s8  }
0x9: {  	_ =	strace $0x80000047;
	s30 =	sshrl.u32 s4, $0x1;
	s8 =	sor.u32 s9, s7  }
0xa: {  	s6 =	sor.u32 s6, s7;
	s31 =	ssub.s32 s4, s30;
	s7 =	simm.s32 $0x80  }
0xb: {  	s9 =	simm.s32 $0x1;
	s8 =	sshrl.u32 s8, $0x3;
	s6 =	sshrl.u32 s6, $0x3  }
0xc: {  	s8 =	sadd.s32 s8, s3;
	s5 =	sadd.s32 s5, s6;
	s6 =	smax.u32 s31, $0x1  }
0xd: {  	v0 =	vimm.f32 $0.0e+00;
	s3 =	sadd.s32 $0xBE00, s8;
	s4 =	sadd.s32 $0x2000, s8;
	s8 =	simm.s32 $0x400  }
.LBB2_1:
0xe: {  	[tilespmem:s2], [sflag:$0x1] =	stream.strided.gather [hbm4b:s3+s7], $0x2780, s8, s7, $0x38;
	[tilespmem:$0x7700] =	vst v63  }
0xf: {  	_ =	swait.ge [sflag:s9], $0x2780  }
0x10: {  	[sflag:s9] =	ssyncset.done $0x0  }
0x11: {  	[sflag:s9] =	ssyncadd.s32 $0xFFFFD880  }
0x12: {  	[tilespmem:s10], [sflag:$0x1] =	stream.strided.gather [hbm4b:s4+s7], $0x2780, s8, s7, $0x38;
	[tilespmem:$0x7700] =	vst v63  }
0x13: {  	_ =	swait.ge [sflag:s9], $0x2780  }
0x14: {  	[sflag:s9] =	ssyncset.done $0x0  }
0x15: {  	s13 =	simm.s32 $0x0;
	[sflag:s9] =	ssyncadd.s32 $0xFFFFD880  }
.LBB2_2:
0x16: {  	p0 =	sne.s32 s13, $0x9FC0  }
.Ltmp0:
0x17: {  	_ = 	snop;
	(pc) =	sbr.rel @p0 .LBB2_2-.Ltmp0, $3  }
0x18: {  	_ =	sdelay $0x1  }
0x19: {  	s14 =	sshra.s32 s13, $0x2  }
0x1a: {  	s13 =	sadd.s32 $0x40, s13;
	[tilespmem:s14+$0x4F00] =	vst v0  }
0x1b: {  	s14 =	simm.s32 $0x0;
	s13 =	simm.s32 $0x40  }
.LBB2_4:
0x1c: {  	p0 =	sne.s32 s13, $0x9C00;
	v1 =	vld [tilespmem:s14+$0x0];
	_ =	sdelay $0x2  }
0x1d: {  	v2 =	vld [tilespmem:s14+$0x2780]  }
.Ltmp1:
0x1e: {  	(pc) =	sbr.rel @p0 .LBB2_4-.Ltmp1, $2  }
0x1f: {  	_ =	sdelay $0x2  }
0x20: {  	s14 =	sshra.s32 s13, $0x2;
	s13 =	sadd.s32 $0x40, s13;
	[tilespmem:v1+s11+$0x0] =	vst.idx.add.f32.msk $0xffff, v2  }
0x21: {  	v1 =	vld [tilespmem:s14+$0x0];
	_ =	sdelay $0x2  }
0x22: {  	v2 =	vld [tilespmem:s14+$0x2780];
	_ =	sdelay $0x2  }
0x23: {  	s12 =	sadd.s32 $0x1, s12  }
0x24: {  	p0 =	sne.s32 s12, s6  }
.Ltmp2:
0x25: {  	[tilespmem:v1+s11+$0x0] =	vst.idx.add.f32.msk $0xffff, v2;
	(pc) =	sbr.rel @p0 .LBB2_1-.Ltmp2, $4  }
0x26: {  	[hbm4b:s5+s7] =	stream.strided.scatter [tilespmem:s11], [sflag:$0x1], $0x2800, s8, s7, $0x38;
	[tilespmem:$0x7700] =	vst v63  }
0x27: {  	_ =	swait.ge [sflag:s9], $0x2800  }
0x28: {  	[sflag:s9] =	ssyncset.done $0x0  }
0x29: {  	[sflag:s9] =	ssyncadd.s32 $0xFFFFD800  }
0x2a: {  	_ =	sfence.sel $0x180000  }
0x2b: {  	[bflag:$0x0] =	sbarrier.arrive $0xFFFF  }
0x2c: {  	p0 =	sne.s32 s0, $0x0;
	_ =	strace $0x90000047  }
0x2d: {  	s0 =	sadd.s32 @!p0 $0x100000, s1;
	[bflag:$0x2] =	sbarrier.arrive $0xFFFF  }
0x2e: {  	[sflag:s0] =	ssyncadd.tile.s32 @!p0 $0x1;
	_ =	shalt  }
.Lfunc_end2:
_tile_overlayer_lowered:
.L_overlay_start_2:
0x2f: {  	(tag) =	ssettag $0x2  }
0x30: {  	s0 =	rddreg [dreg:$0x0];
	s2 =	stileid.u32  }
0x31: {  	s1 =	rddreg [dreg:$0x1];
	p0 =	sne.s32 s2, $0x0  }
0x32: {  	s3 =	rddreg [dreg:$0x2];
	[bflag:$0x3] =	sbarrier.arrive $0xFFFF;
	s2 =	simm.s32 @!p0 $0x1C01  }
0x33: {  	[timem:s3], [sflag:s2] =	dma.local @!p0 [hbm:s0], s1  }
0x34: {  	s0 =	simm.s32 @!p0 $0x1  }
0x35: {  	_ =	swait.ge @!p0 [sflag:s0], s1  }
0x36: {  	s1 =	ssub.s32 @!p0 $0x0, s1;
	[sflag:s0] =	ssyncset.done @!p0 $0x0  }
0x37: {  	[sflag:s0] =	ssyncadd.s32 @!p0 s1  }
0x38: {  	[bflag:$0x3] =	sbarrier.arrive $0xFFFF  }
0x39: {  	_ =	shalt  }

// kernel: kernel.9.cloned.1.call-start
scs
__scs_entry_jumppad:
0x0: {  	(pc) =	sbr.rel $0x88, $3  }
0x1: {  	(tag) =	ssettag $0x0;
	lr =	simm.s32 $0x1  }
0x2: {  	[smem:$0x3F99] =	sst lr;
	_ =	strace $0xD0000000  }
0x3: {  	_ = 	snop  }
0x4: {  	_ = 	snop  }
0x5: {  	_ = 	snop  }
0x6: {  	_ = 	snop  }
0x7: {  	_ = 	snop  }
__scs_overlays_trampoline_lowered:
0x8: {  	[smem:$0x3FA8] =	sst s0  }
0x9: {  	[smem:$0x3FA9] =	sst s1  }
0xa: {  	[smem:$0x3FAA] =	sst s2  }
0xb: {  	[smem:$0x3FAB] =	sst s3  }
0xc: {  	[smem:$0x3FAC] =	sst s4  }
0xd: {  	[smem:$0x3FAD] =	sst s5  }
0xe: {  	[smem:$0x3FAE] =	sst s6  }
0xf: {  	[smem:$0x3FAF] =	sst s7  }
0x10: {  	[smem:$0x3FB0] =	sst s8  }
0x11: {  	[smem:$0x3FB1] =	sst s9;
	s0 =	simm.s32 @!p0 $0x0  }
0x12: {  	s1 =	sld [smem:$0x3F97];
	s0 =	simm.s32 @p0 $0x1  }
0x13: {  	[smem:$0x3FB2] =	sst s0;
	s0 =	simm.s32 @!p1 $0x0  }
0x14: {  	s2 =	sld [smem:$0x3F96];
	s0 =	simm.s32 @p1 $0x1  }
0x15: {  	[smem:$0x3FB3] =	sst s0;
	s0 =	simm.s32 @!p2 $0x0  }
0x16: {  	s3 =	sld [smem:$0x3FDB];
	s0 =	simm.s32 @p2 $0x1  }
0x17: {  	s4 =	simm.s32 $0x1BF5;
	[smem:$0x3FB5] =	sst s0  }
0x18: {  	s0 =	sld [smem:$0x3F98];
	_ =	swait.ge [sflag:s4], $0x0  }
0x19: {  	s7 =	sld [smem:$0x3F99]  }
0x1a: {  	s8 =	sadd.s32 $0xFFFFE003, lr  }
0x1b: {  	s9 =	sadd.s32 $0xFFFFFEF7, lr;
	s5 =	simm.s32 $0xFFFFFFFF;
	p2 =	slt.u32 s8, $0xFFFFF086  }
0x1c: {  	p1 =	slt.u32 s9, $0xF7A;
	s5 =	simm.s32 @!p2 $0x0  }
0x1d: {  	s5 =	simm.s32 @p1 $0x1;
	p0 =	seq.s32 s7, s2  }
0x1e: {  	s7 =	smul.u32 @!p0 $0xF7A, s2;
	p2 =	seq.s32 @!p0 s5, $0x0  }
0x1f: {  	s9 =	smul.u32 $0xF7A, s1;
	s8 =	simm.s32 @!p0 $0x1BF5;
	p2 =	por !p2, p0  }
0x20: {  	[sflag:s8] =	ssyncset.s32 @!p0 $0xFFFFF086;
	s6 =	sadd.s32 @!p0 s3, s7;
	s7 =	simm.s32 @!p0 $0x108  }
0x21: {  	s3 =	sadd.s32 s3, s9;
	s6 =	sadd.s32 @!p0 $0x88, s6;
	s7 =	simm.s32 @p2 $0x1082  }
0x22: {  	[simem:s7], [sflag:s8] =	dma.local @!p0 [hbm:s6], $0xF7A  }
0x23: {  	s9 =	sor.u32 $0xD0000000, s2;
	s6 =	simm.s32 $0x108;
	_ =	swait.ge @!p0 [sflag:s8], $0x0  }
0x24: {  	s3 =	sadd.s32 $0x88, s3;
	s6 =	simm.s32 @!p1 $0x1082;
	[sflag:s4] =	ssyncset.s32 $0xFFFFF086  }
0x25: {  	[simem:s6], [sflag:s4] =	dma.local [hbm:s3], $0xF7A  }
0x26: {  	[smem:$0x3F99] =	sst s1;
	(tag) =	ssettag s2;
	_ =	strace s9  }
0x27: {  	s1 =	sld [smem:$0x3FA9]  }
0x28: {  	s2 =	sld [smem:$0x3FAA]  }
0x29: {  	s4 =	sld [smem:$0x3FAC]  }
0x2a: {  	p0 =	seq.s32 s5, $0x0;
	s5 =	sld [smem:$0x3FAD]  }
0x2b: {  	s6 =	sld [smem:$0x3FAE]  }
0x2c: {  	s7 =	sld [smem:$0x3FAF]  }
0x2d: {  	s3 =	simm.s32 $0x108;
	s8 =	sld [smem:$0x3FB0]  }
0x2e: {  	s3 =	simm.s32 @!p0 $0x1082;
	s9 =	sld [smem:$0x3FB1]  }
0x2f: {  	lr =	sadd.s32 s0, s3;
	s0 =	sld [smem:$0x3FA8]  }
0x30: {  	s3 =	sld [smem:$0x3FAB]  }
0x31: {  	[smem:$0x3FB4] =	sst s10  }
0x32: {  	s10 =	sld [smem:$0x3FB2];
	_ =	sdelay $0x3  }
0x33: {  	p0 =	seq.s32 s10, $0x1;
	s10 =	sld [smem:$0x3FB4];
	_ =	sdelay $0x3  }
0x34: {  	[smem:$0x3FB4] =	sst s10  }
0x35: {  	s10 =	sld [smem:$0x3FB3];
	_ =	sdelay $0x3  }
0x36: {  	p1 =	seq.s32 s10, $0x1;
	s10 =	sld [smem:$0x3FB4];
	_ =	sdelay $0x3  }
0x37: {  	[smem:$0x3FB4] =	sst s10  }
0x38: {  	s10 =	sld [smem:$0x3FB5]  }
0x39: {  	_ = 	snop;
	(pc) =	sbr.ind lr, $3  }
0x3a: {  	_ = 	snop  }
0x3b: {  	_ = 	snop  }
0x3c: {  	p2 =	seq.s32 s10, $0x1;
	s10 =	sld [smem:$0x3FB4]  }
0x3d: {  	_ =	shalt  }
0x3e: {  	_ =	shalt  }
0x3f: {  	_ =	shalt  }
0x40: {  	_ =	shalt  }
0x41: {  	_ =	shalt  }
0x42: {  	_ =	shalt  }
0x43: {  	_ =	shalt  }
0x44: {  	_ =	shalt  }
0x45: {  	_ =	shalt  }
0x46: {  	_ =	shalt  }
0x47: {  	_ =	shalt  }
0x48: {  	_ =	shalt  }
0x49: {  	_ =	shalt  }
0x4a: {  	_ =	shalt  }
0x4b: {  	_ =	shalt  }
0x4c: {  	_ =	shalt  }
0x4d: {  	_ =	shalt  }
0x4e: {  	_ =	shalt  }
0x4f: {  	_ =	shalt  }
0x50: {  	_ =	shalt  }
0x51: {  	_ =	shalt  }
0x52: {  	_ =	shalt  }
0x53: {  	_ =	shalt  }
0x54: {  	_ =	shalt  }
0x55: {  	_ =	shalt  }
0x56: {  	_ =	shalt  }
0x57: {  	_ =	shalt  }
0x58: {  	_ =	shalt  }
0x59: {  	_ =	shalt  }
0x5a: {  	_ =	shalt  }
0x5b: {  	_ =	shalt  }
0x5c: {  	_ =	shalt  }
0x5d: {  	_ =	shalt  }
0x5e: {  	_ =	shalt  }
0x5f: {  	_ =	shalt  }
0x60: {  	_ =	shalt  }
0x61: {  	_ =	shalt  }
0x62: {  	_ =	shalt  }
0x63: {  	_ =	shalt  }
0x64: {  	_ =	shalt  }
0x65: {  	_ =	shalt  }
0x66: {  	_ =	shalt  }
0x67: {  	_ =	shalt  }
0x68: {  	_ =	shalt  }
0x69: {  	_ =	shalt  }
0x6a: {  	_ =	shalt  }
0x6b: {  	_ =	shalt  }
0x6c: {  	_ =	shalt  }
0x6d: {  	_ =	shalt  }
0x6e: {  	_ =	shalt  }
0x6f: {  	_ =	shalt  }
0x70: {  	_ =	shalt  }
0x71: {  	_ =	shalt  }
0x72: {  	_ =	shalt  }
0x73: {  	_ =	shalt  }
0x74: {  	_ =	shalt  }
0x75: {  	_ =	shalt  }
0x76: {  	_ =	shalt  }
0x77: {  	_ =	shalt  }
0x78: {  	_ =	shalt  }
0x79: {  	_ =	shalt  }
0x7a: {  	_ =	shalt  }
0x7b: {  	_ =	shalt  }
0x7c: {  	_ =	shalt  }
0x7d: {  	_ =	shalt  }
0x7e: {  	_ =	shalt  }
0x7f: {  	_ =	shalt  }
0x80: {  	_ =	shalt  }
0x81: {  	_ =	shalt  }
0x82: {  	_ =	shalt  }
0x83: {  	_ =	shalt  }
0x84: {  	_ =	shalt  }
0x85: {  	_ =	shalt  }
0x86: {  	_ =	shalt  }
0x87: {  	_ =	shalt  }
.Lfunc_end0:
.L_simem_size_0:
called_computation.1_lowered:
.L_overlay_start_0:
0x88: {  	s0 =	sld [smem:$0x3FD9]  }
0x89: {  	s1 =	sld [smem:$0x3FFE];
	_ =	sdelay $0x3  }
0x8a: {  	s0 =	sadd.s32 s1, s0  }
0x8b: {  	[smem:$0x3FC0] =	sst s0  }
0x8c: {  	_ = 	snop  }
0x8d: {  	(tm) =	ssettm $0x1  }
0x8e: {  	s15 =	sld [smem:$0x3FFB];
	_ =	sdelay $0x3  }
0x8f: {  	_ =	strace s15  }
0x90: {  	s0 =	sld [smem:$0x3FFC];
	_ =	sdelay $0x3  }
0x91: {  	_ =	strace s0  }
0x92: {  	s0 =	sld [smem:$0x3FFD];
	_ =	sdelay $0x3  }
0x93: {  	_ =	strace s0  }
0x94: {  	_ =	strace $0x8FFFFFFF  }
0x95: {  	s16 =	sld [smem:$0x3FDB];
	_ =	sdelay $0x1  }
0x96: {  	s17 =	simm.s32 $_scs_section_size  }
0x97: {  	s2 =	simm.s32 $_size__tile_overlayer_lowered;
	s3 =	simm.s32 $_tile_overlayer_lowered  }
0x98: {  	s20 =	simm.s32 $0x1BFF;
	s19 =	sshll.u32 s3, $0x1;
	s0 =	sadd.s32 s17, s16  }
0x99: {  	s4 =	simm.s32 $0x0;
	s18 =	sshll.u32 s2, $0x1;
	s2 =	sadd.s32 s19, s0  }
0x9a: {  	[timem:s4], [sflag:s20] =	dma.local [hbm:s2], s18  }
0x9b: {  	_ =	swait.ge [sflag:s20], s18  }
0x9c: {  	s1 =	ssub.s32 $0x0, s18;
	[sflag:s20] =	ssyncset.done $0x0  }
0x9d: {  	[sflag:s20] =	ssyncadd.s32 s1;
	_ =	sdelay $0x1  }
0x9e: {  	s21 =	simm.s32 $0x1B8B  }
0x9f: {  	_ =	swait.ge [sflag:s21], $0x1  }
0xa0: {  	[sflag:s21] =	ssyncset.done $0x0  }
0xa1: {  	s23 =	simm.s32 $0x1B8E;
	s22 =	sld [smem:$0x3FFE];
	[sflag:s21] =	ssyncadd.s32 $0xFFFFFFFF  }
0xa2: {  	s24 =	simm.s32 $execute0_lowered;
	[smem:$0x3FD2] =	sst s23  }
0xa3: {  	s2 =	sshll.u32 s24, $0x1;
	_ =	strace $0x80000049;
	[dreg:$0x1] =	wrdreg $0xFFFFFFFF  }
0xa4: {  	s25 =	simm.s32 $_size_execute0_lowered;
	s0 =	sadd.s32 s0, s2;
	[dreg:$0x0] =	wrdreg $0x0  }
0xa5: {  	s2 =	sshll.u32 s25, $0x1;
	[dreg:$0x2] =	wrdreg s0  }
0xa6: {  	[dreg:$0x3] =	wrdreg s2  }
0xa7: {  	[dreg:$0x4] =	wrdreg $0xC0  }
0xa8: {  	_ =	task [dreg:s4], $0x5FFFF  }
0xa9: {  	[dreg:$0x1] =	wrdreg $0xFFFFFFFF  }
0xaa: {  	[dreg:$0x0] =	wrdreg $0x60  }
0xab: {  	[dreg:$0x2] =	wrdreg s22  }
0xac: {  	[dreg:$0x3] =	wrdreg $0x90000  }
0xad: {  	[dreg:$0x4] =	wrdreg $0x9  }
0xae: {  	_ =	task.clear_ibuf [dreg:s4], $0x5FFFF;
	_ =	strace $0x90000049  }
0xaf: {  	s26 =	simm.s32 $0x9;
	_ =	strace $0x8000004B  }
0xb0: {  	_ =	swait.ge [sflag:s26], $0x1  }
0xb1: {  	[sflag:s26] =	ssyncadd.s32 $0xFFFFFFFF  }
0xb2: {  	_ =	strace $0x9000004B  }
0xb3: {  	_ =	sfence  }
0xb4: {  	s28 =	sld [smem:$0x0];
	_ =	sdelay $0x1  }
0xb5: {  	s29 =	srdreg.scid  }
0xb6: {  	s30 =	sshll.u32 s29, $0xD;
	s31 =	sshrl.u32 s29, $0x2  }
0xb7: {  	s1 =	sand.u32 $0x1, s29;
	s2 =	sand.u32 $0x4000, s30;
	s0 =	sadd.s32 s31, s28  }
0xb8: {  	s1 =	sor.u32 s2, s1;
	s0 =	sshll.u32 s0, $0x11  }
0xb9: {  	s0 =	sor.u32 s0, s1  }
0xba: {  	s0 =	sadd.s32 $0x8F2B, s0  }
0xbb: {  	[sflag:s0] =	ssyncadd.remote.s32 $0x1  }
0xbc: {  	_ =	sfence.sel $0xFFFF  }
0xbd: {  	[dreg:$0x0] =	wrdreg $0xFFFFFFFF;
	(pc) =	sbr.abs _section_cstart, $3  }
0xbe: {  	[dreg:$0x1] =	wrdreg $0xFFFFFFFF  }
0xbf: {  	_ =	task.clear_ibuf [dreg:s4], $0x2FFFF;
	_ =	strace $0x9FFFFFFF  }
0xc0: {  	(tm) =	ssettm $0x7FFFFFFF  }
0xc1: {  	_ =	shalt  }
tec
execute0_lowered:
.L_overlay_start_1:
0x0: {  	(tag) =	ssettag $0x1  }
0x1: {  	s1 =	rddreg [dreg:$0x0]  }
0x2: {  	s2 =	rddreg [dreg:$0x1]  }
0x3: {  	s0 =	rddreg [dreg:$0x2];
	s4 =	simm.s32 $0x0;
	s9 =	simm.s32 $0x2  }
0x4: {  	s10 =	simm.s32 $0x200;
	[smem:$0x7FF] =	sst s4;
	s3 =	sadd.s32 $0x59C00, s1  }
0x5: {  	s5 =	sadd.s32 $0x2000, s1;
	s6 =	sadd.s32 $0x35C00, s1;
	_ =	strace $0x8000004A  }
0x6: {  	[tilespmem:s4], [sflag:$0x2] =	stream.linear.gather [hbm4b:s5+s4], $0x2800, $0x38;
	[tilespmem:$0x1D000] =	vst v63  }
0x7: {  	s8 =	sadd.s32 $0x15C00, s1;
	s7 =	sadd.s32 $0x81C00, s1;
	_ =	swait.ge [sflag:s9], $0x2800  }
0x8: {  	s4 =	sadd.s32 $0x49C00, s1;
	s5 =	sadd.s32 $0x25C00, s1;
	[sflag:s9] =	ssyncset.done $0x0  }
0x9: {  	v0 =	vimm.f32 $0.0e+00;
	s1 =	stileid.u32;
	[sflag:s9] =	ssyncadd.s32 $0xFFFFD800;
	s9 =	simm.s32 $0x0  }
.LBB2_1:
0xa: {  	p0 =	sne.s32 s10, $0x3E00;
	[tilespmem:s9+$0x8070] =	vst v0  }
0xb: {  	[tilespmem:s9+$0x8000] =	vst v0  }
0xc: {  	[tilespmem:s9+$0x8010] =	vst v0  }
.Ltmp0:
0xd: {  	[tilespmem:s9+$0x8020] =	vst v0;
	(pc) =	sbr.rel @p0 .LBB2_1-.Ltmp0, $4  }
0xe: {  	[tilespmem:s9+$0x8030] =	vst v0  }
0xf: {  	[tilespmem:s9+$0x8040] =	vst v0  }
0x10: {  	[tilespmem:s9+$0x8050] =	vst v0  }
0x11: {  	[tilespmem:s9+$0x8060] =	vst v0;
	s9 =	sshra.s32 s10, $0x2;
	s10 =	sadd.s32 $0x200, s10  }
0x12: {  	[tilespmem:s9+$0x8070] =	vst v0  }
0x13: {  	[tilespmem:s9+$0x8000] =	vst v0  }
0x14: {  	[tilespmem:s9+$0x8010] =	vst v0  }
0x15: {  	[tilespmem:s9+$0x8020] =	vst v0  }
0x16: {  	[tilespmem:s9+$0x8030] =	vst v0;
	s10 =	smul.u32 $0x50000, s1  }
0x17: {  	[tilespmem:s9+$0x8040] =	vst v0  }
0x18: {  	[tilespmem:s9+$0x8050] =	vst v0;
	s10 =	sshrl.u32 s10, $0x2  }
0x19: {  	[tilespmem:s9+$0x8060] =	vst v0;
	s11 =	simm.s32 $0x8000;
	s9 =	sadd.s32 s10, s2;
	s10 =	simm.s32 $0x2  }
0x1a: {  	[spmem:s9] =	stream.linear.scatter [tilespmem:s11], [sflag:$0x2], $0x1000, $0x38;
	[tilespmem:$0x1D000] =	vst v63  }
0x1b: {  	_ =	swait.ge [sflag:s10], $0x1000  }
0x1c: {  	[sflag:s10] =	ssyncset.done $0x0  }
0x1d: {  	s12 =	sadd.s32 $0x1000, s9;
	[sflag:s10] =	ssyncadd.s32 $0xFFFFF000  }
0x1e: {  	[spmem:s12] =	stream.linear.scatter [tilespmem:s11], [sflag:$0x2], $0x1000, $0x38;
	[tilespmem:$0x1D000] =	vst v63  }
0x1f: {  	_ =	swait.ge [sflag:s10], $0x1000  }
0x20: {  	[sflag:s10] =	ssyncset.done $0x0  }
0x21: {  	s13 =	sadd.s32 $0x2000, s9;
	[sflag:s10] =	ssyncadd.s32 $0xFFFFF000  }
0x22: {  	[spmem:s13] =	stream.linear.scatter [tilespmem:s11], [sflag:$0x2], $0x1000, $0x38;
	[tilespmem:$0x1D000] =	vst v63  }
0x23: {  	_ =	swait.ge [sflag:s10], $0x1000  }
0x24: {  	[sflag:s10] =	ssyncset.done $0x0  }
0x25: {  	s14 =	sadd.s32 $0x3000, s9;
	[sflag:s10] =	ssyncadd.s32 $0xFFFFF000  }
0x26: {  	[spmem:s14] =	stream.linear.scatter [tilespmem:s11], [sflag:$0x2], $0x1000, $0x38;
	[tilespmem:$0x1D000] =	vst v63  }
0x27: {  	_ =	swait.ge [sflag:s10], $0x1000  }
0x28: {  	[sflag:s10] =	ssyncset.done $0x0  }
0x29: {  	s15 =	sadd.s32 $0x4000, s9;
	[sflag:s10] =	ssyncadd.s32 $0xFFFFF000  }
0x2a: {  	[spmem:s15] =	stream.linear.scatter [tilespmem:s11], [sflag:$0x2], $0x1000, $0x38;
	[tilespmem:$0x1D000] =	vst v63  }
0x2b: {  	_ =	swait.ge [sflag:s10], $0x1000  }
0x2c: {  	[sflag:s10] =	ssyncset.done $0x0  }
0x2d: {  	s16 =	sadd.s32 $0x5000, s9;
	[sflag:s10] =	ssyncadd.s32 $0xFFFFF000  }
0x2e: {  	[spmem:s16] =	stream.linear.scatter [tilespmem:s11], [sflag:$0x2], $0x1000, $0x38;
	[tilespmem:$0x1D000] =	vst v63  }
0x2f: {  	_ =	swait.ge [sflag:s10], $0x1000  }
0x30: {  	[sflag:s10] =	ssyncset.done $0x0  }
0x31: {  	s17 =	sadd.s32 $0x6000, s9;
	[sflag:s10] =	ssyncadd.s32 $0xFFFFF000  }
0x32: {  	[spmem:s17] =	stream.linear.scatter [tilespmem:s11], [sflag:$0x2], $0x1000, $0x38;
	[tilespmem:$0x1D000] =	vst v63  }
0x33: {  	_ =	swait.ge [sflag:s10], $0x1000  }
0x34: {  	[sflag:s10] =	ssyncset.done $0x0  }
0x35: {  	s18 =	sadd.s32 $0x7000, s9;
	[sflag:s10] =	ssyncadd.s32 $0xFFFFF000  }
0x36: {  	[spmem:s18] =	stream.linear.scatter [tilespmem:s11], [sflag:$0x2], $0x1000, $0x38;
	[tilespmem:$0x1D000] =	vst v63  }
0x37: {  	_ =	swait.ge [sflag:s10], $0x1000  }
0x38: {  	[sflag:s10] =	ssyncset.done $0x0  }
0x39: {  	s19 =	sadd.s32 $0x8000, s9;
	[sflag:s10] =	ssyncadd.s32 $0xFFFFF000  }
0x3a: {  	[spmem:s19] =	stream.linear.scatter [tilespmem:s11], [sflag:$0x2], $0x1000, $0x38;
	[tilespmem:$0x1D000] =	vst v63  }
0x3b: {  	_ =	swait.ge [sflag:s10], $0x1000  }
0x3c: {  	[sflag:s10] =	ssyncset.done $0x0  }
0x3d: {  	s20 =	sadd.s32 $0x9000, s9;
	[sflag:s10] =	ssyncadd.s32 $0xFFFFF000  }
0x3e: {  	[spmem:s20] =	stream.linear.scatter [tilespmem:s11], [sflag:$0x2], $0x1000, $0x38;
	[tilespmem:$0x1D000] =	vst v63  }
0x3f: {  	_ =	swait.ge [sflag:s10], $0x1000  }
0x40: {  	[sflag:s10] =	ssyncset.done $0x0  }
0x41: {  	s21 =	sadd.s32 $0xA000, s9;
	[sflag:s10] =	ssyncadd.s32 $0xFFFFF000  }
0x42: {  	[spmem:s21] =	stream.linear.scatter [tilespmem:s11], [sflag:$0x2], $0x1000, $0x38;
	[tilespmem:$0x1D000] =	vst v63  }
0x43: {  	_ =	swait.ge [sflag:s10], $0x1000  }
0x44: {  	[sflag:s10] =	ssyncset.done $0x0  }
0x45: {  	s22 =	sadd.s32 $0xB000, s9;
	[sflag:s10] =	ssyncadd.s32 $0xFFFFF000  }
0x46: {  	[spmem:s22] =	stream.linear.scatter [tilespmem:s11], [sflag:$0x2], $0x1000, $0x38;
	[tilespmem:$0x1D000] =	vst v63  }
0x47: {  	_ =	swait.ge [sflag:s10], $0x1000  }
0x48: {  	[sflag:s10] =	ssyncset.done $0x0  }
0x49: {  	s23 =	sadd.s32 $0xC000, s9;
	[sflag:s10] =	ssyncadd.s32 $0xFFFFF000  }
0x4a: {  	[spmem:s23] =	stream.linear.scatter [tilespmem:s11], [sflag:$0x2], $0x1000, $0x38;
	[tilespmem:$0x1D000] =	vst v63  }
0x4b: {  	_ =	swait.ge [sflag:s10], $0x1000  }
0x4c: {  	[sflag:s10] =	ssyncset.done $0x0  }
0x4d: {  	s24 =	sadd.s32 $0xD000, s9;
	[sflag:s10] =	ssyncadd.s32 $0xFFFFF000  }
0x4e: {  	[spmem:s24] =	stream.linear.scatter [tilespmem:s11], [sflag:$0x2], $0x1000, $0x38;
	[tilespmem:$0x1D000] =	vst v63  }
0x4f: {  	_ =	swait.ge [sflag:s10], $0x1000  }
0x50: {  	[sflag:s10] =	ssyncset.done $0x0  }
0x51: {  	s25 =	sadd.s32 $0xE000, s9;
	[sflag:s10] =	ssyncadd.s32 $0xFFFFF000  }
0x52: {  	[spmem:s25] =	stream.linear.scatter [tilespmem:s11], [sflag:$0x2], $0x1000, $0x38;
	[tilespmem:$0x1D000] =	vst v63  }
0x53: {  	_ =	swait.ge [sflag:s10], $0x1000  }
0x54: {  	[sflag:s10] =	ssyncset.done $0x0  }
0x55: {  	s26 =	sadd.s32 $0xF000, s9;
	[sflag:s10] =	ssyncadd.s32 $0xFFFFF000  }
0x56: {  	[spmem:s26] =	stream.linear.scatter [tilespmem:s11], [sflag:$0x2], $0x1000, $0x38;
	[tilespmem:$0x1D000] =	vst v63  }
0x57: {  	_ =	swait.ge [sflag:s10], $0x1000  }
0x58: {  	[sflag:s10] =	ssyncset.done $0x0  }
0x59: {  	s28 =	sadd.s32 $0x10000, s9;
	[sflag:s10] =	ssyncadd.s32 $0xFFFFF000  }
0x5a: {  	[spmem:s28] =	stream.linear.scatter [tilespmem:s11], [sflag:$0x2], $0x1000, $0x38;
	[tilespmem:$0x1D000] =	vst v63  }
0x5b: {  	_ =	swait.ge [sflag:s10], $0x1000  }
0x5c: {  	[sflag:s10] =	ssyncset.done $0x0  }
0x5d: {  	s29 =	sadd.s32 $0x11000, s9;
	[sflag:s10] =	ssyncadd.s32 $0xFFFFF000  }
0x5e: {  	[spmem:s29] =	stream.linear.scatter [tilespmem:s11], [sflag:$0x2], $0x1000, $0x38;
	[tilespmem:$0x1D000] =	vst v63  }
0x5f: {  	_ =	swait.ge [sflag:s10], $0x1000  }
0x60: {  	[sflag:s10] =	ssyncset.done $0x0  }
0x61: {  	s30 =	sadd.s32 $0x12000, s9;
	s31 =	sadd.s32 $0x13000, s9;
	[sflag:s10] =	ssyncadd.s32 $0xFFFFF000  }
0x62: {  	[spmem:s30] =	stream.linear.scatter [tilespmem:s11], [sflag:$0x2], $0x1000, $0x38;
	[tilespmem:$0x1D000] =	vst v63  }
0x63: {  	s12 =	smul.u32 $0xA000, s1;
	s13 =	simm.s32 $0x0;
	_ =	swait.ge [sflag:s10], $0x1000  }
0x64: {  	s14 =	simm.s32 $0x80;
	s15 =	simm.s32 $0x400;
	[sflag:s10] =	ssyncset.done $0x0  }
0x65: {  	s16 =	simm.s32 $0x2800;
	s17 =	simm.s32 $0x3000;
	[sflag:s10] =	ssyncadd.s32 $0xFFFFF000  }
0x66: {  	[spmem:s31] =	stream.linear.scatter [tilespmem:s11], [sflag:$0x2], $0x1000, $0x38;
	[tilespmem:$0x1D000] =	vst v63  }
0x67: {  	s18 =	simm.s32 $0x4000;
	s19 =	simm.s32 $0x3800;
	_ =	swait.ge [sflag:s10], $0x1000  }
0x68: {  	s20 =	simm.s32 $0x50;
	s21 =	simm.s32 $0x5800;
	[sflag:s10] =	ssyncset.done $0x0  }
0x69: {  	s22 =	simm.s32 $0x1;
	s23 =	simm.s32 $0x5000;
	[sflag:s10] =	ssyncadd.s32 $0xFFFFF000  }
0x6a: {  	s24 =	simm.s32 $0x0;
	s11 =	sshll.u32 s1, $0xC;
	[bflag:$0x0] =	sbarrier.arrive $0xFFFF  }
.LBB2_3:
0x6b: {  	s25 =	sshll.u32 s24, $0x8  }
0x6c: {  	s26 =	sshll.u32 s24, $0x4;
	s25 =	sand.u32 $0x800, s25  }
0x6d: {  	s26 =	sand.u32 $0x70, s26;
	s25 =	sor.u32 s11, s25  }
0x6e: {  	s25 =	sor.u32 s26, s25  }
0x6f: {  	s26 =	sadd.s32 s4, s25  }
0x70: {  	[tilespmem:s16], [sflag:$0x2] =	stream.strided.gather [hbm4b:s26+s14], $0x800, s15, s14, $0x38;
	[tilespmem:$0x1D000] =	vst v63  }
0x71: {  	_ =	swait.ge [sflag:s10], $0x800  }
0x72: {  	[sflag:s10] =	ssyncset.done $0x0  }
0x73: {  	s31 =	sshll.u32 s24, $0xC;
	s30 =	sadd.s32 s5, s25;
	[sflag:s10] =	ssyncadd.s32 $0xFFFFF800  }
0x74: {  	[tilespmem:s17], [sflag:$0x2] =	stream.strided.gather [hbm4b:s30+s14], $0x800, s15, s14, $0x38;
	[tilespmem:$0x1D000] =	vst v63  }
0x75: {  	s26 =	sadd.s32 s12, s31;
	_ =	swait.ge [sflag:s10], $0x800  }
0x76: {  	s26 =	sshrl.u32 s26, $0x3;
	[sflag:s10] =	ssyncset.done $0x0  }
0x77: {  	s26 =	sadd.s32 s6, s26;
	[sflag:s10] =	ssyncadd.s32 $0xFFFFF800  }
0x78: {  	[tilespmem:s18], [sflag:$0x2] =	stream.linear.gather [hbm4b:s26+s13], $0xC80, $0x38;
	[tilespmem:$0x1D000] =	vst v63  }
0x79: {  	_ =	swait.ge [sflag:s10], $0xC80  }
0x7a: {  	[sflag:s10] =	ssyncset.done $0x0  }
0x7b: {  	s25 =	sadd.s32 s8, s25;
	[sflag:s10] =	ssyncadd.s32 $0xFFFFF380  }
0x7c: {  	[tilespmem:s19], [sflag:$0x2] =	stream.strided.gather [hbm4b:s25+s14], $0x800, s15, s14, $0x38;
	[tilespmem:$0x1D000] =	vst v63  }
0x7d: {  	_ =	swait.ge [sflag:s10], $0x800  }
0x7e: {  	[sflag:s10] =	ssyncset.done $0x0  }
0x7f: {  	s26 =	simm.s32 $0x0;
	[sflag:s10] =	ssyncadd.s32 $0xFFFFF800  }
0x80: {  	v0 =	vld [tilespmem:s26+$0x2800]  }
0x81: {  	v2 =	vld [tilespmem:s26+$0x3000];
	_ =	sdelay $0x5  }
0x82: {  	v1 =	vld [tilespmem:s26+$0x3800]  }
0x83: {  	v0 =	vld.idx.msk [tilespmem:v0+s13+$0x0], $0xffff  }
0x84: {  	s28 =	simm.s32 $0x10;
	s29 =	simm.s32 $0x80;
	v2 =	vld.idx.msk [tilespmem:v2+s13+$0x0], $0xffff  }
.LBB2_4:
0x85: {  	p0 =	sne.s32 s29, $0x1F00;
	v3 =	vld [tilespmem:s28+$0x2800];
	_ =	sdelay $0x1  }
0x86: {  	v4 =	vld [tilespmem:s28+$0x3000]  }
0x87: {  	v0 =	vmul.f32 v1, v0;
	_ =	sdelay $0x1  }
0x88: {  	v0 =	vmul.f32 v0, v2  }
.Ltmp1:
0x89: {  	(pc) =	sbr.rel @p0 .LBB2_4-.Ltmp1, $4  }
0x8a: {  	s25 =	simm.s32 $0x0;
	[tilespmem:s26+$0x5000] =	vst v0;
	s26 =	smov.u32 s28  }
0x8b: {  	v0 =	vld.idx.msk [tilespmem:v3+s25+$0x0], $0xffff  }
0x8c: {  	v1 =	vld [tilespmem:s26+$0x3800]  }
0x8d: {  	s28 =	sshra.s32 s29, $0x2;
	s29 =	sadd.s32 $0x40, s29;
	v2 =	vld.idx.msk [tilespmem:v4+s25+$0x0], $0xffff  }
0x8e: {  	v3 =	vld [tilespmem:s28+$0x2800];
	_ =	sdelay $0x2  }
0x8f: {  	v4 =	vld [tilespmem:s28+$0x3000];
	v0 =	vmul.f32 v1, v0;
	_ =	sdelay $0x1  }
0x90: {  	v0 =	vmul.f32 v0, v2;
	_ =	sdelay $0x1  }
0x91: {  	[tilespmem:s26+$0x5000] =	vst v0  }
0x92: {  	v0 =	vld.idx.msk [tilespmem:v3+s25+$0x0], $0xffff  }
0x93: {  	v62 =	vld [tilespmem:s28+$0x3800];
	_ =	sdelay $0x1  }
0x94: {  	v63 =	vld.idx.msk [tilespmem:v4+s25+$0x0], $0xffff;
	_ =	sdelay $0x2  }
0x95: {  	v0 =	vmul.f32 v62, v0;
	_ =	sdelay $0x1  }
0x96: {  	v0 =	vmul.f32 v0, v63;
	_ =	sdelay $0x1  }
0x97: {  	s26 =	simm.s32 $0x0;
	[tilespmem:s28+$0x5000] =	vst v0  }
.LBB2_6:
0x98: {  	s28 =	smul.u32 $0x50, s26;
	_ =	sdelay $0x1  }
0x99: {  	s28 =	sadd.s32 $0x2800, s28  }
0x9a: {  	[tilespmem:s21], [sflag:$0x1] =	stream.indirect.gather [hbm4b:s3+s20], $0x80, s28, s20, $0xb8;
	[tilespmem:$0x1D000] =	vst v63  }
0x9b: {  	s28 =	sadd.s32 $0x0, s25;
	_ =	swait.ge [sflag:s22], $0x2800  }
0x9c: {  	v0 =	vmov s28;
	[sflag:s22] =	ssyncset.done $0x0  }
0x9d: {  	s28 =	simm.s32 $0x5840;
	[sflag:s22] =	ssyncadd.s32 $0xFFFFD800  }
0x9e: {  	v4 =	vld [tilespmem:s28+$0x30]  }
0x9f: {  	v7 =	vld [tilespmem:s28+$0x10]  }
0xa0: {  	v5 =	vld [tilespmem:s28+$0xFFFFFFC0]  }
0xa1: {  	v1 =	vld.idx.msk [tilespmem:v0+s23+$0x0], $0xffff  }
0xa2: {  	v9 =	vld [tilespmem:s28+$0xFFFFFFE0]  }
0xa3: {  	p0 =	por $0x1, $0x1;
	v2 =	vld [tilespmem:s28+$0x20]  }
.Ltmp2:
0xa4: {  	v3 =	vld [tilespmem:s28+$0xFFFFFFD0];
	(pc) =	sbr.rel @!p0 .LBB2_8-.Ltmp2, $4  }
0xa5: {  	v0 =	vld [tilespmem:s28+$0xFFFFFFF0]  }
0xa6: {  	v8 =	vmul.f32 v4, v1;
	v4 =	vld [tilespmem:s28+$0x0]  }
0xa7: {  	v6 =	vmul.f32 v5, v1  }
0xa8: {  	s29 =	simm.s32 $0x1;
	s30 =	simm.s32 $0x5840;
	v5 =	vmul.f32 v9, v1;
	v7 =	vmul.f32 v7, v1  }
.LBB2_7:
0xa9: {  	p0 =	sne.s32 s29, $0x4F  }
0xaa: {  	v3 =	vmul.f32 v3, v1;
	v2 =	vmul.f32 v2, v1;
	[tilespmem:s28+$0x30] =	vst v8;
	s30 =	sadd.s32 $0x80, s30;
	s31 =	smov.u32 s29;
	s29 =	sadd.s32 $0x1, s29  }
0xab: {  	[tilespmem:s28+$0xFFFFFFC0] =	vst v6;
	v6 =	vmul.f32 v0, v1;
	v1 =	vmul.f32 v4, v1  }
0xac: {  	s31 =	sadd.s32 s31, s25;
	[tilespmem:s28+$0x10] =	vst v7  }
0xad: {  	v4 =	vmov s31;
	[tilespmem:s28+$0xFFFFFFE0] =	vst v5  }
0xae: {  	v0 =	vld [tilespmem:s30+$0xFFFFFFF0];
	[tilespmem:s28+$0xFFFFFFF0] =	vst v6  }
0xaf: {  	v5 =	vld [tilespmem:s30+$0x30];
	[tilespmem:s28+$0x0] =	vst v1  }
0xb0: {  	v7 =	vld [tilespmem:s30+$0x10];
	[tilespmem:s28+$0x20] =	vst v2  }
0xb1: {  	v6 =	vld [tilespmem:s30+$0xFFFFFFC0];
	[tilespmem:s28+$0xFFFFFFD0] =	vst v3;
	s28 =	smov.u32 s30  }
0xb2: {  	v1 =	vld.idx.msk [tilespmem:v4+s23+$0x0], $0xffff  }
0xb3: {  	v9 =	vld [tilespmem:s30+$0xFFFFFFE0]  }
0xb4: {  	v2 =	vld [tilespmem:s30+$0x20]  }
.Ltmp3:
0xb5: {  	v3 =	vld [tilespmem:s30+$0xFFFFFFD0];
	(pc) =	sbr.rel @p0 .LBB2_7-.Ltmp3, $3  }
0xb6: {  	v4 =	vld [tilespmem:s30+$0x0];
	_ =	sdelay $0x1  }
0xb7: {  	v6 =	vmul.f32 v6, v1;
	v8 =	vmul.f32 v5, v1  }
0xb8: {  	v7 =	vmul.f32 v7, v1;
	v5 =	vmul.f32 v9, v1  }
.LBB2_8:
0xb9: {  	[tilespmem:s28+$0x30] =	vst v8  }
0xba: {  	[tilespmem:s28+$0xFFFFFFC0] =	vst v6  }
0xbb: {  	v2 =	vmul.f32 v2, v1;
	[tilespmem:s28+$0x10] =	vst v7  }
0xbc: {  	v63 =	vmul.f32 v3, v1;
	[tilespmem:s28+$0xFFFFFFE0] =	vst v5  }
0xbd: {  	v0 =	vmul.f32 v0, v1;
	[tilespmem:s28+$0x20] =	vst v2  }
0xbe: {  	s29 =	sshll.u32 s26, $0x7;
	s26 =	sadd.s32 $0x1, s26;
	v4 =	vmul.f32 v4, v1;
	[tilespmem:s28+$0xFFFFFFD0] =	vst v63  }
0xbf: {  	s29 =	sand.u32 $0x3FFFFF80, s29;
	p0 =	sne.s32 s26, $0x19;
	[tilespmem:s28+$0xFFFFFFF0] =	vst v0  }
.Ltmp4:
0xc0: {  	s31 =	sadd.s32 $0x4000, s29;
	[tilespmem:s28+$0x0] =	vst v4;
	(pc) =	sbr.rel @p0 .LBB2_6-.Ltmp4, $4  }
0xc1: {  	[spmem:s2] =	stream.indirect.scatter.add.f32 [tilespmem:s21], [sflag:$0x2], $0x80, s31, s20, $0xb8;
	[tilespmem:$0x1D000] =	vst v63  }
0xc2: {  	_ =	swait.ge [sflag:s10], $0x2800  }
0xc3: {  	[sflag:s10] =	ssyncset.done $0x0  }
0xc4: {  	s25 =	sadd.s32 $0x50, s25;
	[sflag:s10] =	ssyncadd.s32 $0xFFFFD800  }
0xc5: {  	s24 =	sadd.s32 $0x1, s24  }
0xc6: {  	p0 =	sne.s32 s24, $0xA  }
.Ltmp5:
0xc7: {  	_ = 	snop;
	(pc) =	sbr.rel @p0 .LBB2_3-.Ltmp5, $1  }
0xc8: {  	_ =	sdelay $0x3  }
0xc9: {  	s2 =	smul.u32 $0x2800, s1  }
0xca: {  	s3 =	sshll.u32 s1, $0x6;
	[bflag:$0x0] =	sbarrier.arrive $0xFFFF;
	s4 =	sshrl.u32 s9, $0x3  }
0xcb: {  	s31 =	simm.s32 $0x2;
	s3 =	sor.u32 $0x1C02, s3;
	s2 =	sadd.s32 s7, s2  }
0xcc: {  	[hbm:s2], [sflag:s3] =	dma.local [spmem:s4], $0x2800  }
0xcd: {  	_ =	swait.ge [sflag:s31], $0x2800  }
0xce: {  	[sflag:s31] =	ssyncset.done $0x0  }
0xcf: {  	[sflag:s31] =	ssyncadd.s32 $0xFFFFD800  }
0xd0: {  	_ =	sfence.sel $0x180000  }
0xd1: {  	[bflag:$0x0] =	sbarrier.arrive $0xFFFF  }
0xd2: {  	p0 =	sne.s32 s1, $0x0;
	_ =	strace $0x9000004A  }
0xd3: {  	s0 =	sadd.s32 @!p0 $0x100000, s0;
	[bflag:$0x2] =	sbarrier.arrive $0xFFFF  }
0xd4: {  	[sflag:s0] =	ssyncadd.tile.s32 @!p0 $0x1;
	_ =	shalt  }
.Lfunc_end2:
_tile_overlayer_lowered:
.L_overlay_start_2:
0xd5: {  	(tag) =	ssettag $0x2  }
0xd6: {  	s0 =	rddreg [dreg:$0x0];
	s2 =	stileid.u32  }
0xd7: {  	s1 =	rddreg [dreg:$0x1];
	p0 =	sne.s32 s2, $0x0  }
0xd8: {  	s3 =	rddreg [dreg:$0x2];
	[bflag:$0x3] =	sbarrier.arrive $0xFFFF;
	s2 =	simm.s32 @!p0 $0x1C02  }
0xd9: {  	[timem:s3], [sflag:s2] =	dma.local @!p0 [hbm:s0], s1  }
0xda: {  	s0 =	simm.s32 @!p0 $0x2  }
0xdb: {  	_ =	swait.ge @!p0 [sflag:s0], s1  }
0xdc: {  	s1 =	ssub.s32 @!p0 $0x0, s1;
	[sflag:s0] =	ssyncset.done @!p0 $0x0  }
0xdd: {  	[sflag:s0] =	ssyncadd.s32 @!p0 s1  }
0xde: {  	[bflag:$0x3] =	sbarrier.arrive $0xFFFF  }
0xdf: {  	_ =	shalt  }

</sc_bundles>
